<compile_context>
chip_gen: v7x
topology: tpu7x:2x2x1
jax: 0.10.2.dev20260603
libtpu: 0.0.44.dev20260713+nightly
codegen_flags: <defaults>
</compile_context>

<pallas_src>
import functools

import jax
import jax.numpy as jnp
from jax import lax
from jax.experimental import pallas as pl
from jax.experimental.pallas import tpu as pltpu
from jax.experimental.pallas import tpu_sc as plsc


def kernel(prefix, table):
    B, P = prefix.shape
    V, D = table.shape
    N = B * P

    idx = jnp.repeat(prefix.reshape(N).astype(jnp.int32), 8)

    info = plsc.get_sparse_core_info()
    NC, NS = info.num_cores, info.num_subcores
    NW = NC * NS
    n_per_w = N // NW
    n_pair = n_per_w // 2

    mesh = plsc.VectorSubcoreMesh(core_axis_name="c", subcore_axis_name="s")

    @functools.partial(
        pl.kernel,
        out_type=jax.ShapeDtypeStruct((N, D), jnp.float32),
        mesh=mesh,
        scratch_types=[
            pltpu.VMEM((n_per_w * 8,), jnp.int32),
            pltpu.VMEM((1, D), jnp.float32),
            pltpu.VMEM((1, D), jnp.float32),
            pltpu.SemaphoreType.DMA,
            pltpu.SemaphoreType.DMA,
            pltpu.SemaphoreType.DMA,
            pltpu.SemaphoreType.DMA,
        ],
    )
    def gather_kernel(
        idx_hbm, table_hbm, out_hbm, idx_v, buf0, buf1, gs0, gs1, ws0, ws1
    ):
        wid = lax.axis_index("s") * NC + lax.axis_index("c")
        base = wid * n_per_w
        pltpu.sync_copy(idx_hbm.at[pl.ds(base * 8, n_per_w * 8)], idx_v)

        def gather(g, buf, sem):
            off = pl.multiple_of(g * 8, 8)
            pltpu.async_copy(table_hbm.at[idx_v.at[pl.ds(off, 1)]], buf, sem)

        def wait_gather(buf, sem):
            pltpu.make_async_copy(table_hbm.at[pl.ds(0, 1)], buf, sem).wait()

        def write(g, buf, sem):
            pltpu.async_copy(buf, out_hbm.at[pl.ds(base + g, 1)], sem)

        def wait_write(buf, sem):
            pltpu.make_async_copy(buf, out_hbm.at[pl.ds(base, 1)], sem).wait()

        gather(0, buf0, gs0)
        gather(1, buf1, gs1)
        wait_gather(buf0, gs0)
        write(0, buf0, ws0)
        wait_gather(buf1, gs1)
        write(1, buf1, ws1)
        wait_write(buf0, ws0)
        gather(2, buf0, gs0)

        def pair(p, carry):
            g = 2 * p
            wait_gather(buf0, gs0)
            write(g, buf0, ws0)
            wait_write(buf1, ws1)
            gather(g + 1, buf1, gs1)
            wait_gather(buf1, gs1)
            write(g + 1, buf1, ws1)
            wait_write(buf0, ws0)
            gather(g + 2, buf0, gs0)
            return carry

        lax.fori_loop(1, n_pair - 1, pair, 0)

        g = n_per_w - 2
        wait_gather(buf0, gs0)
        write(g, buf0, ws0)
        wait_write(buf1, ws1)
        gather(g + 1, buf1, gs1)
        wait_gather(buf1, gs1)
        write(g + 1, buf1, ws1)
        wait_write(buf0, ws0)
        wait_write(buf1, ws1)

    out = gather_kernel(idx, table)
    return out.reshape(B, P, D)

# --- scband reference (transcript-rebuilt; emitter-appended) ---
"""Pipeline reference for scband-prefix-encoder-51376398795577 (READ-ONLY COPY).

The authoritative reference and input builder live on the scoring server;
editing this copy changes nothing except your own understanding.
"""

import jax, jax.numpy as jnp
import numpy as np

PRE_SEQ_LEN = 128
HIDDEN = 1024
N_LAYERS = 24
EMBED_DIM = N_LAYERS * 2 * HIDDEN  # 49152
BATCH = 8
PREFIX_LEN = 128


def setup_inputs(seed: int = 0) -> dict:
    key = jax.random.key(seed)
    k1, k2 = jax.random.split(key)
    prefix = jax.random.randint(k1, (BATCH, PREFIX_LEN), 0, PRE_SEQ_LEN, dtype=jnp.int64 if jax.config.jax_enable_x64 else jnp.int32)
    # Learned embedding table: nn.Embedding(pre_seq_len, num_hidden_layers*2*hidden_size)
    table = jax.random.normal(k2, (PRE_SEQ_LEN, EMBED_DIM), dtype=jnp.float32) * 0.02
    return {"prefix": prefix, "table": table}


def reference(prefix, table):
    # prefix_projection = False branch: pure embedding lookup
    past_key_values = jnp.take(table, prefix, axis=0)  # (B, prefix_len, 2*layers*hidden)
    return past_key_values

if __name__ == "__main__":
    import jax
    _d = setup_inputs()
    print(jax.jit(kernel)(*tuple(_d.values())))

</pallas_src>

<mosaic_0001>
#map = affine_map<(d0, d1) -> (0)>
#map1 = affine_map<(d0, d1) -> (0, 0)>
module attributes {stable_mosaic.version = 14 : i64} {
  func.func @gather_kernel(%arg0: i32, %arg1: i32, %arg2: memref<8192xi32, #tpu.memory_space<hbm>>, %arg3: memref<128x49152xf32, #tpu.memory_space<hbm>>, %arg4: memref<1024x49152xf32, #tpu.memory_space<hbm>>, %arg5: memref<256xi32, #tpu.memory_space<vmem>>, %arg6: memref<1x49152xf32, #tpu.memory_space<vmem>>, %arg7: memref<1x49152xf32, #tpu.memory_space<vmem>>, %arg8: memref<!tpu.dma_semaphore, #tpu.memory_space<semaphore_mem>>, %arg9: memref<!tpu.dma_semaphore, #tpu.memory_space<semaphore_mem>>, %arg10: memref<!tpu.dma_semaphore, #tpu.memory_space<semaphore_mem>>, %arg11: memref<!tpu.dma_semaphore, #tpu.memory_space<semaphore_mem>>) attributes {dimension_semantics = [#tpu.dimension_semantics<core_parallel>, #tpu.dimension_semantics<subcore_parallel>], iteration_bounds = array<i64: 2, 16>, scalar_prefetch = 0 : i64, scratch_operands = 7 : i64, tpu.core_type = #tpu.core_type<sc_vector_subcore>, window_params = [{transform_indices = #map}, {transform_indices = #map1}, {transform_indices = #map1}]} {
    %mul3A = arith.constant 2 : i32
    %mul3A_0 = arith.muli %arg1, %mul3A : i32
    %add3A = arith.addi %mul3A_0, %arg0 : i32
    %mul3A_1 = arith.constant 32 : i32
    %mul3A_2 = arith.muli %add3A, %mul3A_1 : i32
    %mul3A_3 = arith.constant 8 : i32
    %mul3A_4 = arith.muli %mul3A_2, %mul3A_3 : i32
    "tpu.region"() ({
      %run_scoped3A = tpu.sem_alloc : memref<!tpu.dma_semaphore, #tpu.memory_space<semaphore_mem>>
      %dma_start3A_95 = tpu.memref_slice %arg2[%mul3A_4] : memref<8192xi32, #tpu.memory_space<hbm>> -> memref<256xi32, #tpu.memory_space<hbm>>
      %dma_start3A_96 = tpu.memref_slice %arg2[%mul3A_4] : memref<8192xi32, #tpu.memory_space<hbm>> -> memref<256xi32, #tpu.memory_space<hbm>>
      tpu.enqueue_dma source(%dma_start3A_96 : memref<256xi32, #tpu.memory_space<hbm>>) target(%arg5 : memref<256xi32, #tpu.memory_space<vmem>>) target_semaphore(%run_scoped3A : memref<!tpu.dma_semaphore, #tpu.memory_space<semaphore_mem>>)
      %dma_wait3A_97 = tpu.memref_slice %arg2[%mul3A_4] : memref<8192xi32, #tpu.memory_space<hbm>> -> memref<256xi32, #tpu.memory_space<hbm>>
      %dma_wait3A_98 = tpu.memref_slice %arg2[%mul3A_4] : memref<8192xi32, #tpu.memory_space<hbm>> -> memref<256xi32, #tpu.memory_space<hbm>>
      tpu.wait_dma2 semaphore(%run_scoped3A : memref<!tpu.dma_semaphore, #tpu.memory_space<semaphore_mem>>) src(%dma_wait3A_98 : memref<256xi32, #tpu.memory_space<hbm>>) dst(%arg5 : memref<256xi32, #tpu.memory_space<vmem>>)
      tpu.yield
    }) : () -> ()
    %multiple_of3A = arith.constant 0 : i32
    %multiple_of3A_5 = tpu.assume_multiple %multiple_of3A, 8 : i32
    %dma_start3A = tpu.memref_slice %arg5[%multiple_of3A_5] : memref<256xi32, #tpu.memory_space<vmem>> -> memref<1xi32, #tpu.memory_space<vmem>>
    %dma_start3A_6 = arith.constant 0 : i32
    %dma_start3A_7 = arith.constant 0 : i32
    %dma_start3A_8 = tpu.memref_slice %arg3[%dma_start3A_6, %dma_start3A_7] : memref<128x49152xf32, #tpu.memory_space<hbm>> -> memref<128x49152xf32, #tpu.memory_space<hbm>>
    tpu.enqueue_indirect_dma source(%dma_start3A_8 : memref<128x49152xf32, #tpu.memory_space<hbm>>) target(%arg6 : memref<1x49152xf32, #tpu.memory_space<vmem>>) offsets(%dma_start3A : memref<1xi32, #tpu.memory_space<vmem>>) semaphore(%arg8 : memref<!tpu.dma_semaphore, #tpu.memory_space<semaphore_mem>>)
    %multiple_of3A_9 = arith.constant 8 : i32
    %multiple_of3A_10 = tpu.assume_multiple %multiple_of3A_9, 8 : i32
    %dma_start3A_11 = tpu.memref_slice %arg5[%multiple_of3A_10] : memref<256xi32, #tpu.memory_space<vmem>> -> memref<1xi32, #tpu.memory_space<vmem>>
    %dma_start3A_12 = arith.constant 0 : i32
    %dma_start3A_13 = arith.constant 0 : i32
    %dma_start3A_14 = tpu.memref_slice %arg3[%dma_start3A_12, %dma_start3A_13] : memref<128x49152xf32, #tpu.memory_space<hbm>> -> memref<128x49152xf32, #tpu.memory_space<hbm>>
    tpu.enqueue_indirect_dma source(%dma_start3A_14 : memref<128x49152xf32, #tpu.memory_space<hbm>>) target(%arg7 : memref<1x49152xf32, #tpu.memory_space<vmem>>) offsets(%dma_start3A_11 : memref<1xi32, #tpu.memory_space<vmem>>) semaphore(%arg9 : memref<!tpu.dma_semaphore, #tpu.memory_space<semaphore_mem>>)
    %dma_wait3A = arith.constant 0 : i32
    %dma_wait3A_15 = arith.constant 0 : i32
    %dma_wait3A_16 = tpu.memref_slice %arg3[%dma_wait3A, %dma_wait3A_15] : memref<128x49152xf32, #tpu.memory_space<hbm>> -> memref<1x49152xf32, #tpu.memory_space<hbm>>
    %dma_wait3A_17 = arith.constant 0 : i32
    %dma_wait3A_18 = arith.constant 0 : i32
    %dma_wait3A_19 = tpu.memref_slice %arg3[%dma_wait3A_17, %dma_wait3A_18] : memref<128x49152xf32, #tpu.memory_space<hbm>> -> memref<1x49152xf32, #tpu.memory_space<hbm>>
    tpu.wait_dma2 semaphore(%arg8 : memref<!tpu.dma_semaphore, #tpu.memory_space<semaphore_mem>>) src(%dma_wait3A_19 : memref<1x49152xf32, #tpu.memory_space<hbm>>) dst(%arg6 : memref<1x49152xf32, #tpu.memory_space<vmem>>)
    %add3A_20 = arith.constant 0 : i32
    %add3A_21 = arith.addi %mul3A_2, %add3A_20 : i32
    %dma_start3A_22 = arith.constant 0 : i32
    %dma_start3A_23 = tpu.memref_slice %arg4[%add3A_21, %dma_start3A_22] : memref<1024x49152xf32, #tpu.memory_space<hbm>> -> memref<1x49152xf32, #tpu.memory_space<hbm>>
    %dma_start3A_24 = arith.constant 0 : i32
    %dma_start3A_25 = tpu.memref_slice %arg4[%add3A_21, %dma_start3A_24] : memref<1024x49152xf32, #tpu.memory_space<hbm>> -> memref<1x49152xf32, #tpu.memory_space<hbm>>
    tpu.enqueue_dma source(%arg6 : memref<1x49152xf32, #tpu.memory_space<vmem>>) target(%dma_start3A_25 : memref<1x49152xf32, #tpu.memory_space<hbm>>) target_semaphore(%arg10 : memref<!tpu.dma_semaphore, #tpu.memory_space<semaphore_mem>>)
    %dma_wait3A_26 = arith.constant 0 : i32
    %dma_wait3A_27 = arith.constant 0 : i32
    %dma_wait3A_28 = tpu.memref_slice %arg3[%dma_wait3A_26, %dma_wait3A_27] : memref<128x49152xf32, #tpu.memory_space<hbm>> -> memref<1x49152xf32, #tpu.memory_space<hbm>>
    %dma_wait3A_29 = arith.constant 0 : i32
    %dma_wait3A_30 = arith.constant 0 : i32
    %dma_wait3A_31 = tpu.memref_slice %arg3[%dma_wait3A_29, %dma_wait3A_30] : memref<128x49152xf32, #tpu.memory_space<hbm>> -> memref<1x49152xf32, #tpu.memory_space<hbm>>
    tpu.wait_dma2 semaphore(%arg9 : memref<!tpu.dma_semaphore, #tpu.memory_space<semaphore_mem>>) src(%dma_wait3A_31 : memref<1x49152xf32, #tpu.memory_space<hbm>>) dst(%arg7 : memref<1x49152xf32, #tpu.memory_space<vmem>>)
    %add3A_32 = arith.constant 1 : i32
    %add3A_33 = arith.addi %mul3A_2, %add3A_32 : i32
    %dma_start3A_34 = arith.constant 0 : i32
    %dma_start3A_35 = tpu.memref_slice %arg4[%add3A_33, %dma_start3A_34] : memref<1024x49152xf32, #tpu.memory_space<hbm>> -> memref<1x49152xf32, #tpu.memory_space<hbm>>
    %dma_start3A_36 = arith.constant 0 : i32
    %dma_start3A_37 = tpu.memref_slice %arg4[%add3A_33, %dma_start3A_36] : memref<1024x49152xf32, #tpu.memory_space<hbm>> -> memref<1x49152xf32, #tpu.memory_space<hbm>>
    tpu.enqueue_dma source(%arg7 : memref<1x49152xf32, #tpu.memory_space<vmem>>) target(%dma_start3A_37 : memref<1x49152xf32, #tpu.memory_space<hbm>>) target_semaphore(%arg11 : memref<!tpu.dma_semaphore, #tpu.memory_space<semaphore_mem>>)
    %dma_wait3A_38 = arith.constant 0 : i32
    %dma_wait3A_39 = tpu.memref_slice %arg4[%mul3A_2, %dma_wait3A_38] : memref<1024x49152xf32, #tpu.memory_space<hbm>> -> memref<1x49152xf32, #tpu.memory_space<hbm>>
    %dma_wait3A_40 = arith.constant 0 : i32
    %dma_wait3A_41 = tpu.memref_slice %arg4[%mul3A_2, %dma_wait3A_40] : memref<1024x49152xf32, #tpu.memory_space<hbm>> -> memref<1x49152xf32, #tpu.memory_space<hbm>>
    tpu.wait_dma2 semaphore(%arg10 : memref<!tpu.dma_semaphore, #tpu.memory_space<semaphore_mem>>) src(%arg6 : memref<1x49152xf32, #tpu.memory_space<vmem>>) dst(%dma_wait3A_41 : memref<1x49152xf32, #tpu.memory_space<hbm>>)
    %multiple_of3A_42 = arith.constant 16 : i32
    %multiple_of3A_43 = tpu.assume_multiple %multiple_of3A_42, 8 : i32
    %dma_start3A_44 = tpu.memref_slice %arg5[%multiple_of3A_43] : memref<256xi32, #tpu.memory_space<vmem>> -> memref<1xi32, #tpu.memory_space<vmem>>
    %dma_start3A_45 = arith.constant 0 : i32
    %dma_start3A_46 = arith.constant 0 : i32
    %dma_start3A_47 = tpu.memref_slice %arg3[%dma_start3A_45, %dma_start3A_46] : memref<128x49152xf32, #tpu.memory_space<hbm>> -> memref<128x49152xf32, #tpu.memory_space<hbm>>
    tpu.enqueue_indirect_dma source(%dma_start3A_47 : memref<128x49152xf32, #tpu.memory_space<hbm>>) target(%arg6 : memref<1x49152xf32, #tpu.memory_space<vmem>>) offsets(%dma_start3A_44 : memref<1xi32, #tpu.memory_space<vmem>>) semaphore(%arg8 : memref<!tpu.dma_semaphore, #tpu.memory_space<semaphore_mem>>)
    %scan3A = arith.constant 0 : i32
    %scan3A_48 = arith.constant 1 : i32
    %scan3A_49 = arith.constant 14 : i32
    %scan3A_50 = arith.addi %scan3A_48, %scan3A_49 : i32
    %scan3A_51 = arith.constant 1 : i32
    scf.for %scan3A_95 = %scan3A_48 to %scan3A_50 step %scan3A_51  : i32 {
      %mul3A_96 = arith.constant 2 : i32
      %mul3A_97 = arith.muli %mul3A_96, %scan3A_95 : i32
      %dma_wait3A_98 = arith.constant 0 : i32
      %dma_wait3A_99 = arith.constant 0 : i32
      %dma_wait3A_100 = tpu.memref_slice %arg3[%dma_wait3A_98, %dma_wait3A_99] : memref<128x49152xf32, #tpu.memory_space<hbm>> -> memref<1x49152xf32, #tpu.memory_space<hbm>>
      %dma_wait3A_101 = arith.constant 0 : i32
      %dma_wait3A_102 = arith.constant 0 : i32
      %dma_wait3A_103 = tpu.memref_slice %arg3[%dma_wait3A_101, %dma_wait3A_102] : memref<128x49152xf32, #tpu.memory_space<hbm>> -> memref<1x49152xf32, #tpu.memory_space<hbm>>
      tpu.wait_dma2 semaphore(%arg8 : memref<!tpu.dma_semaphore, #tpu.memory_space<semaphore_mem>>) src(%dma_wait3A_103 : memref<1x49152xf32, #tpu.memory_space<hbm>>) dst(%arg6 : memref<1x49152xf32, #tpu.memory_space<vmem>>)
      %add3A_104 = arith.addi %mul3A_2, %mul3A_97 : i32
      %dma_start3A_105 = arith.constant 0 : i32
      %dma_start3A_106 = tpu.memref_slice %arg4[%add3A_104, %dma_start3A_105] : memref<1024x49152xf32, #tpu.memory_space<hbm>> -> memref<1x49152xf32, #tpu.memory_space<hbm>>
      %dma_start3A_107 = arith.constant 0 : i32
      %dma_start3A_108 = tpu.memref_slice %arg4[%add3A_104, %dma_start3A_107] : memref<1024x49152xf32, #tpu.memory_space<hbm>> -> memref<1x49152xf32, #tpu.memory_space<hbm>>
      tpu.enqueue_dma source(%arg6 : memref<1x49152xf32, #tpu.memory_space<vmem>>) target(%dma_start3A_108 : memref<1x49152xf32, #tpu.memory_space<hbm>>) target_semaphore(%arg10 : memref<!tpu.dma_semaphore, #tpu.memory_space<semaphore_mem>>)
      %dma_wait3A_109 = arith.constant 0 : i32
      %dma_wait3A_110 = tpu.memref_slice %arg4[%mul3A_2, %dma_wait3A_109] : memref<1024x49152xf32, #tpu.memory_space<hbm>> -> memref<1x49152xf32, #tpu.memory_space<hbm>>
      %dma_wait3A_111 = arith.constant 0 : i32
      %dma_wait3A_112 = tpu.memref_slice %arg4[%mul3A_2, %dma_wait3A_111] : memref<1024x49152xf32, #tpu.memory_space<hbm>> -> memref<1x49152xf32, #tpu.memory_space<hbm>>
      tpu.wait_dma2 semaphore(%arg11 : memref<!tpu.dma_semaphore, #tpu.memory_space<semaphore_mem>>) src(%arg7 : memref<1x49152xf32, #tpu.memory_space<vmem>>) dst(%dma_wait3A_112 : memref<1x49152xf32, #tpu.memory_space<hbm>>)
      %add3A_113 = arith.constant 1 : i32
      %add3A_114 = arith.addi %mul3A_97, %add3A_113 : i32
      %mul3A_115 = arith.constant 8 : i32
      %mul3A_116 = arith.muli %add3A_114, %mul3A_115 : i32
      %multiple_of3A_117 = tpu.assume_multiple %mul3A_116, 8 : i32
      %dma_start3A_118 = tpu.memref_slice %arg5[%multiple_of3A_117] : memref<256xi32, #tpu.memory_space<vmem>> -> memref<1xi32, #tpu.memory_space<vmem>>
      %dma_start3A_119 = arith.constant 0 : i32
      %dma_start3A_120 = arith.constant 0 : i32
      %dma_start3A_121 = tpu.memref_slice %arg3[%dma_start3A_119, %dma_start3A_120] : memref<128x49152xf32, #tpu.memory_space<hbm>> -> memref<128x49152xf32, #tpu.memory_space<hbm>>
      tpu.enqueue_indirect_dma source(%dma_start3A_121 : memref<128x49152xf32, #tpu.memory_space<hbm>>) target(%arg7 : memref<1x49152xf32, #tpu.memory_space<vmem>>) offsets(%dma_start3A_118 : memref<1xi32, #tpu.memory_space<vmem>>) semaphore(%arg9 : memref<!tpu.dma_semaphore, #tpu.memory_space<semaphore_mem>>)
      %dma_wait3A_122 = arith.constant 0 : i32
      %dma_wait3A_123 = arith.constant 0 : i32
      %dma_wait3A_124 = tpu.memref_slice %arg3[%dma_wait3A_122, %dma_wait3A_123] : memref<128x49152xf32, #tpu.memory_space<hbm>> -> memref<1x49152xf32, #tpu.memory_space<hbm>>
      %dma_wait3A_125 = arith.constant 0 : i32
      %dma_wait3A_126 = arith.constant 0 : i32
      %dma_wait3A_127 = tpu.memref_slice %arg3[%dma_wait3A_125, %dma_wait3A_126] : memref<128x49152xf32, #tpu.memory_space<hbm>> -> memref<1x49152xf32, #tpu.memory_space<hbm>>
      tpu.wait_dma2 semaphore(%arg9 : memref<!tpu.dma_semaphore, #tpu.memory_space<semaphore_mem>>) src(%dma_wait3A_127 : memref<1x49152xf32, #tpu.memory_space<hbm>>) dst(%arg7 : memref<1x49152xf32, #tpu.memory_space<vmem>>)
      %add3A_128 = arith.constant 1 : i32
      %add3A_129 = arith.addi %mul3A_97, %add3A_128 : i32
      %add3A_130 = arith.addi %mul3A_2, %add3A_129 : i32
      %dma_start3A_131 = arith.constant 0 : i32
      %dma_start3A_132 = tpu.memref_slice %arg4[%add3A_130, %dma_start3A_131] : memref<1024x49152xf32, #tpu.memory_space<hbm>> -> memref<1x49152xf32, #tpu.memory_space<hbm>>
      %dma_start3A_133 = arith.constant 0 : i32
      %dma_start3A_134 = tpu.memref_slice %arg4[%add3A_130, %dma_start3A_133] : memref<1024x49152xf32, #tpu.memory_space<hbm>> -> memref<1x49152xf32, #tpu.memory_space<hbm>>
      tpu.enqueue_dma source(%arg7 : memref<1x49152xf32, #tpu.memory_space<vmem>>) target(%dma_start3A_134 : memref<1x49152xf32, #tpu.memory_space<hbm>>) target_semaphore(%arg11 : memref<!tpu.dma_semaphore, #tpu.memory_space<semaphore_mem>>)
      %dma_wait3A_135 = arith.constant 0 : i32
      %dma_wait3A_136 = tpu.memref_slice %arg4[%mul3A_2, %dma_wait3A_135] : memref<1024x49152xf32, #tpu.memory_space<hbm>> -> memref<1x49152xf32, #tpu.memory_space<hbm>>
      %dma_wait3A_137 = arith.constant 0 : i32
      %dma_wait3A_138 = tpu.memref_slice %arg4[%mul3A_2, %dma_wait3A_137] : memref<1024x49152xf32, #tpu.memory_space<hbm>> -> memref<1x49152xf32, #tpu.memory_space<hbm>>
      tpu.wait_dma2 semaphore(%arg10 : memref<!tpu.dma_semaphore, #tpu.memory_space<semaphore_mem>>) src(%arg6 : memref<1x49152xf32, #tpu.memory_space<vmem>>) dst(%dma_wait3A_138 : memref<1x49152xf32, #tpu.memory_space<hbm>>)
      %add3A_139 = arith.constant 2 : i32
      %add3A_140 = arith.addi %mul3A_97, %add3A_139 : i32
      %mul3A_141 = arith.constant 8 : i32
      %mul3A_142 = arith.muli %add3A_140, %mul3A_141 : i32
      %multiple_of3A_143 = tpu.assume_multiple %mul3A_142, 8 : i32
      %dma_start3A_144 = tpu.memref_slice %arg5[%multiple_of3A_143] : memref<256xi32, #tpu.memory_space<vmem>> -> memref<1xi32, #tpu.memory_space<vmem>>
      %dma_start3A_145 = arith.constant 0 : i32
      %dma_start3A_146 = arith.constant 0 : i32
      %dma_start3A_147 = tpu.memref_slice %arg3[%dma_start3A_145, %dma_start3A_146] : memref<128x49152xf32, #tpu.memory_space<hbm>> -> memref<128x49152xf32, #tpu.memory_space<hbm>>
      tpu.enqueue_indirect_dma source(%dma_start3A_147 : memref<128x49152xf32, #tpu.memory_space<hbm>>) target(%arg6 : memref<1x49152xf32, #tpu.memory_space<vmem>>) offsets(%dma_start3A_144 : memref<1xi32, #tpu.memory_space<vmem>>) semaphore(%arg8 : memref<!tpu.dma_semaphore, #tpu.memory_space<semaphore_mem>>)
    }
    %scan3A_52 = arith.constant 14 : i32
    %dma_wait3A_53 = arith.constant 0 : i32
    %dma_wait3A_54 = arith.constant 0 : i32
    %dma_wait3A_55 = tpu.memref_slice %arg3[%dma_wait3A_53, %dma_wait3A_54] : memref<128x49152xf32, #tpu.memory_space<hbm>> -> memref<1x49152xf32, #tpu.memory_space<hbm>>
    %dma_wait3A_56 = arith.constant 0 : i32
    %dma_wait3A_57 = arith.constant 0 : i32
    %dma_wait3A_58 = tpu.memref_slice %arg3[%dma_wait3A_56, %dma_wait3A_57] : memref<128x49152xf32, #tpu.memory_space<hbm>> -> memref<1x49152xf32, #tpu.memory_space<hbm>>
    tpu.wait_dma2 semaphore(%arg8 : memref<!tpu.dma_semaphore, #tpu.memory_space<semaphore_mem>>) src(%dma_wait3A_58 : memref<1x49152xf32, #tpu.memory_space<hbm>>) dst(%arg6 : memref<1x49152xf32, #tpu.memory_space<vmem>>)
    %add3A_59 = arith.constant 30 : i32
    %add3A_60 = arith.addi %mul3A_2, %add3A_59 : i32
    %dma_start3A_61 = arith.constant 0 : i32
    %dma_start3A_62 = tpu.memref_slice %arg4[%add3A_60, %dma_start3A_61] : memref<1024x49152xf32, #tpu.memory_space<hbm>> -> memref<1x49152xf32, #tpu.memory_space<hbm>>
    %dma_start3A_63 = arith.constant 0 : i32
    %dma_start3A_64 = tpu.memref_slice %arg4[%add3A_60, %dma_start3A_63] : memref<1024x49152xf32, #tpu.memory_space<hbm>> -> memref<1x49152xf32, #tpu.memory_space<hbm>>
    tpu.enqueue_dma source(%arg6 : memref<1x49152xf32, #tpu.memory_space<vmem>>) target(%dma_start3A_64 : memref<1x49152xf32, #tpu.memory_space<hbm>>) target_semaphore(%arg10 : memref<!tpu.dma_semaphore, #tpu.memory_space<semaphore_mem>>)
    %dma_wait3A_65 = arith.constant 0 : i32
    %dma_wait3A_66 = tpu.memref_slice %arg4[%mul3A_2, %dma_wait3A_65] : memref<1024x49152xf32, #tpu.memory_space<hbm>> -> memref<1x49152xf32, #tpu.memory_space<hbm>>
    %dma_wait3A_67 = arith.constant 0 : i32
    %dma_wait3A_68 = tpu.memref_slice %arg4[%mul3A_2, %dma_wait3A_67] : memref<1024x49152xf32, #tpu.memory_space<hbm>> -> memref<1x49152xf32, #tpu.memory_space<hbm>>
    tpu.wait_dma2 semaphore(%arg11 : memref<!tpu.dma_semaphore, #tpu.memory_space<semaphore_mem>>) src(%arg7 : memref<1x49152xf32, #tpu.memory_space<vmem>>) dst(%dma_wait3A_68 : memref<1x49152xf32, #tpu.memory_space<hbm>>)
    %multiple_of3A_69 = arith.constant 248 : i32
    %multiple_of3A_70 = tpu.assume_multiple %multiple_of3A_69, 8 : i32
    %dma_start3A_71 = tpu.memref_slice %arg5[%multiple_of3A_70] : memref<256xi32, #tpu.memory_space<vmem>> -> memref<1xi32, #tpu.memory_space<vmem>>
    %dma_start3A_72 = arith.constant 0 : i32
    %dma_start3A_73 = arith.constant 0 : i32
    %dma_start3A_74 = tpu.memref_slice %arg3[%dma_start3A_72, %dma_start3A_73] : memref<128x49152xf32, #tpu.memory_space<hbm>> -> memref<128x49152xf32, #tpu.memory_space<hbm>>
    tpu.enqueue_indirect_dma source(%dma_start3A_74 : memref<128x49152xf32, #tpu.memory_space<hbm>>) target(%arg7 : memref<1x49152xf32, #tpu.memory_space<vmem>>) offsets(%dma_start3A_71 : memref<1xi32, #tpu.memory_space<vmem>>) semaphore(%arg9 : memref<!tpu.dma_semaphore, #tpu.memory_space<semaphore_mem>>)
    %dma_wait3A_75 = arith.constant 0 : i32
    %dma_wait3A_76 = arith.constant 0 : i32
    %dma_wait3A_77 = tpu.memref_slice %arg3[%dma_wait3A_75, %dma_wait3A_76] : memref<128x49152xf32, #tpu.memory_space<hbm>> -> memref<1x49152xf32, #tpu.memory_space<hbm>>
    %dma_wait3A_78 = arith.constant 0 : i32
    %dma_wait3A_79 = arith.constant 0 : i32
    %dma_wait3A_80 = tpu.memref_slice %arg3[%dma_wait3A_78, %dma_wait3A_79] : memref<128x49152xf32, #tpu.memory_space<hbm>> -> memref<1x49152xf32, #tpu.memory_space<hbm>>
    tpu.wait_dma2 semaphore(%arg9 : memref<!tpu.dma_semaphore, #tpu.memory_space<semaphore_mem>>) src(%dma_wait3A_80 : memref<1x49152xf32, #tpu.memory_space<hbm>>) dst(%arg7 : memref<1x49152xf32, #tpu.memory_space<vmem>>)
    %add3A_81 = arith.constant 31 : i32
    %add3A_82 = arith.addi %mul3A_2, %add3A_81 : i32
    %dma_start3A_83 = arith.constant 0 : i32
    %dma_start3A_84 = tpu.memref_slice %arg4[%add3A_82, %dma_start3A_83] : memref<1024x49152xf32, #tpu.memory_space<hbm>> -> memref<1x49152xf32, #tpu.memory_space<hbm>>
    %dma_start3A_85 = arith.constant 0 : i32
    %dma_start3A_86 = tpu.memref_slice %arg4[%add3A_82, %dma_start3A_85] : memref<1024x49152xf32, #tpu.memory_space<hbm>> -> memref<1x49152xf32, #tpu.memory_space<hbm>>
    tpu.enqueue_dma source(%arg7 : memref<1x49152xf32, #tpu.memory_space<vmem>>) target(%dma_start3A_86 : memref<1x49152xf32, #tpu.memory_space<hbm>>) target_semaphore(%arg11 : memref<!tpu.dma_semaphore, #tpu.memory_space<semaphore_mem>>)
    %dma_wait3A_87 = arith.constant 0 : i32
    %dma_wait3A_88 = tpu.memref_slice %arg4[%mul3A_2, %dma_wait3A_87] : memref<1024x49152xf32, #tpu.memory_space<hbm>> -> memref<1x49152xf32, #tpu.memory_space<hbm>>
    %dma_wait3A_89 = arith.constant 0 : i32
    %dma_wait3A_90 = tpu.memref_slice %arg4[%mul3A_2, %dma_wait3A_89] : memref<1024x49152xf32, #tpu.memory_space<hbm>> -> memref<1x49152xf32, #tpu.memory_space<hbm>>
    tpu.wait_dma2 semaphore(%arg10 : memref<!tpu.dma_semaphore, #tpu.memory_space<semaphore_mem>>) src(%arg6 : memref<1x49152xf32, #tpu.memory_space<vmem>>) dst(%dma_wait3A_90 : memref<1x49152xf32, #tpu.memory_space<hbm>>)
    %dma_wait3A_91 = arith.constant 0 : i32
    %dma_wait3A_92 = tpu.memref_slice %arg4[%mul3A_2, %dma_wait3A_91] : memref<1024x49152xf32, #tpu.memory_space<hbm>> -> memref<1x49152xf32, #tpu.memory_space<hbm>>
    %dma_wait3A_93 = arith.constant 0 : i32
    %dma_wait3A_94 = tpu.memref_slice %arg4[%mul3A_2, %dma_wait3A_93] : memref<1024x49152xf32, #tpu.memory_space<hbm>> -> memref<1x49152xf32, #tpu.memory_space<hbm>>
    tpu.wait_dma2 semaphore(%arg11 : memref<!tpu.dma_semaphore, #tpu.memory_space<semaphore_mem>>) src(%arg7 : memref<1x49152xf32, #tpu.memory_space<vmem>>) dst(%dma_wait3A_94 : memref<1x49152xf32, #tpu.memory_space<hbm>>)
    return
  }
}

</mosaic_0001>

<sc_bundles>
// kernel: kernel.3.cloned.1.call-start
scs
__scs_entry_jumppad:
0x0: {  	(pc) =	sbr.rel $0x88, $3  }
0x1: {  	(tag) =	ssettag $0x0;
	lr =	simm.s32 $0x1  }
0x2: {  	[smem:$0x3F9F] =	sst lr;
	_ =	strace $0xD0000000  }
0x3: {  	_ = 	snop  }
0x4: {  	_ = 	snop  }
0x5: {  	_ = 	snop  }
0x6: {  	_ = 	snop  }
0x7: {  	_ = 	snop  }
__scs_overlays_trampoline_lowered:
0x8: {  	[smem:$0x3FAE] =	sst s0  }
0x9: {  	[smem:$0x3FAF] =	sst s1  }
0xa: {  	[smem:$0x3FB0] =	sst s2  }
0xb: {  	[smem:$0x3FB1] =	sst s3  }
0xc: {  	[smem:$0x3FB2] =	sst s4  }
0xd: {  	[smem:$0x3FB3] =	sst s5  }
0xe: {  	[smem:$0x3FB4] =	sst s6  }
0xf: {  	[smem:$0x3FB5] =	sst s7  }
0x10: {  	[smem:$0x3FB6] =	sst s8  }
0x11: {  	[smem:$0x3FB7] =	sst s9;
	s0 =	simm.s32 @!p0 $0x0  }
0x12: {  	s1 =	sld [smem:$0x3F9D];
	s0 =	simm.s32 @p0 $0x1  }
0x13: {  	[smem:$0x3FB8] =	sst s0;
	s0 =	simm.s32 @!p1 $0x0  }
0x14: {  	s2 =	sld [smem:$0x3F9C];
	s0 =	simm.s32 @p1 $0x1  }
0x15: {  	[smem:$0x3FB9] =	sst s0;
	s0 =	simm.s32 @!p2 $0x0  }
0x16: {  	s3 =	sld [smem:$0x3FDB];
	s0 =	simm.s32 @p2 $0x1  }
0x17: {  	s4 =	simm.s32 $0x1BF5;
	[smem:$0x3FBB] =	sst s0  }
0x18: {  	s0 =	sld [smem:$0x3F9E];
	_ =	swait.ge [sflag:s4], $0x0  }
0x19: {  	s7 =	sld [smem:$0x3F9F]  }
0x1a: {  	s8 =	sadd.s32 $0xFFFFE003, lr  }
0x1b: {  	s9 =	sadd.s32 $0xFFFFFEF7, lr;
	s5 =	simm.s32 $0xFFFFFFFF;
	p2 =	slt.u32 s8, $0xFFFFF086  }
0x1c: {  	p1 =	slt.u32 s9, $0xF7A;
	s5 =	simm.s32 @!p2 $0x0  }
0x1d: {  	s5 =	simm.s32 @p1 $0x1;
	p0 =	seq.s32 s7, s2  }
0x1e: {  	s7 =	smul.u32 @!p0 $0xF7A, s2;
	p2 =	seq.s32 @!p0 s5, $0x0  }
0x1f: {  	s9 =	smul.u32 $0xF7A, s1;
	s8 =	simm.s32 @!p0 $0x1BF5;
	p2 =	por !p2, p0  }
0x20: {  	[sflag:s8] =	ssyncset.s32 @!p0 $0xFFFFF086;
	s6 =	sadd.s32 @!p0 s3, s7;
	s7 =	simm.s32 @!p0 $0x108  }
0x21: {  	s3 =	sadd.s32 s3, s9;
	s6 =	sadd.s32 @!p0 $0x88, s6;
	s7 =	simm.s32 @p2 $0x1082  }
0x22: {  	[simem:s7], [sflag:s8] =	dma.local @!p0 [hbm:s6], $0xF7A  }
0x23: {  	s9 =	sor.u32 $0xD0000000, s2;
	s6 =	simm.s32 $0x108;
	_ =	swait.ge @!p0 [sflag:s8], $0x0  }
0x24: {  	s3 =	sadd.s32 $0x88, s3;
	s6 =	simm.s32 @!p1 $0x1082;
	[sflag:s4] =	ssyncset.s32 $0xFFFFF086  }
0x25: {  	[simem:s6], [sflag:s4] =	dma.local [hbm:s3], $0xF7A  }
0x26: {  	[smem:$0x3F9F] =	sst s1;
	(tag) =	ssettag s2;
	_ =	strace s9  }
0x27: {  	s1 =	sld [smem:$0x3FAF]  }
0x28: {  	s2 =	sld [smem:$0x3FB0]  }
0x29: {  	s4 =	sld [smem:$0x3FB2]  }
0x2a: {  	p0 =	seq.s32 s5, $0x0;
	s5 =	sld [smem:$0x3FB3]  }
0x2b: {  	s6 =	sld [smem:$0x3FB4]  }
0x2c: {  	s7 =	sld [smem:$0x3FB5]  }
0x2d: {  	s3 =	simm.s32 $0x108;
	s8 =	sld [smem:$0x3FB6]  }
0x2e: {  	s3 =	simm.s32 @!p0 $0x1082;
	s9 =	sld [smem:$0x3FB7]  }
0x2f: {  	lr =	sadd.s32 s0, s3;
	s0 =	sld [smem:$0x3FAE]  }
0x30: {  	s3 =	sld [smem:$0x3FB1]  }
0x31: {  	[smem:$0x3FBA] =	sst s10  }
0x32: {  	s10 =	sld [smem:$0x3FB8];
	_ =	sdelay $0x3  }
0x33: {  	p0 =	seq.s32 s10, $0x1;
	s10 =	sld [smem:$0x3FBA];
	_ =	sdelay $0x3  }
0x34: {  	[smem:$0x3FBA] =	sst s10  }
0x35: {  	s10 =	sld [smem:$0x3FB9];
	_ =	sdelay $0x3  }
0x36: {  	p1 =	seq.s32 s10, $0x1;
	s10 =	sld [smem:$0x3FBA];
	_ =	sdelay $0x3  }
0x37: {  	[smem:$0x3FBA] =	sst s10  }
0x38: {  	s10 =	sld [smem:$0x3FBB]  }
0x39: {  	_ = 	snop;
	(pc) =	sbr.ind lr, $3  }
0x3a: {  	_ = 	snop  }
0x3b: {  	_ = 	snop  }
0x3c: {  	p2 =	seq.s32 s10, $0x1;
	s10 =	sld [smem:$0x3FBA]  }
0x3d: {  	_ =	shalt  }
0x3e: {  	_ =	shalt  }
0x3f: {  	_ =	shalt  }
0x40: {  	_ =	shalt  }
0x41: {  	_ =	shalt  }
0x42: {  	_ =	shalt  }
0x43: {  	_ =	shalt  }
0x44: {  	_ =	shalt  }
0x45: {  	_ =	shalt  }
0x46: {  	_ =	shalt  }
0x47: {  	_ =	shalt  }
0x48: {  	_ =	shalt  }
0x49: {  	_ =	shalt  }
0x4a: {  	_ =	shalt  }
0x4b: {  	_ =	shalt  }
0x4c: {  	_ =	shalt  }
0x4d: {  	_ =	shalt  }
0x4e: {  	_ =	shalt  }
0x4f: {  	_ =	shalt  }
0x50: {  	_ =	shalt  }
0x51: {  	_ =	shalt  }
0x52: {  	_ =	shalt  }
0x53: {  	_ =	shalt  }
0x54: {  	_ =	shalt  }
0x55: {  	_ =	shalt  }
0x56: {  	_ =	shalt  }
0x57: {  	_ =	shalt  }
0x58: {  	_ =	shalt  }
0x59: {  	_ =	shalt  }
0x5a: {  	_ =	shalt  }
0x5b: {  	_ =	shalt  }
0x5c: {  	_ =	shalt  }
0x5d: {  	_ =	shalt  }
0x5e: {  	_ =	shalt  }
0x5f: {  	_ =	shalt  }
0x60: {  	_ =	shalt  }
0x61: {  	_ =	shalt  }
0x62: {  	_ =	shalt  }
0x63: {  	_ =	shalt  }
0x64: {  	_ =	shalt  }
0x65: {  	_ =	shalt  }
0x66: {  	_ =	shalt  }
0x67: {  	_ =	shalt  }
0x68: {  	_ =	shalt  }
0x69: {  	_ =	shalt  }
0x6a: {  	_ =	shalt  }
0x6b: {  	_ =	shalt  }
0x6c: {  	_ =	shalt  }
0x6d: {  	_ =	shalt  }
0x6e: {  	_ =	shalt  }
0x6f: {  	_ =	shalt  }
0x70: {  	_ =	shalt  }
0x71: {  	_ =	shalt  }
0x72: {  	_ =	shalt  }
0x73: {  	_ =	shalt  }
0x74: {  	_ =	shalt  }
0x75: {  	_ =	shalt  }
0x76: {  	_ =	shalt  }
0x77: {  	_ =	shalt  }
0x78: {  	_ =	shalt  }
0x79: {  	_ =	shalt  }
0x7a: {  	_ =	shalt  }
0x7b: {  	_ =	shalt  }
0x7c: {  	_ =	shalt  }
0x7d: {  	_ =	shalt  }
0x7e: {  	_ =	shalt  }
0x7f: {  	_ =	shalt  }
0x80: {  	_ =	shalt  }
0x81: {  	_ =	shalt  }
0x82: {  	_ =	shalt  }
0x83: {  	_ =	shalt  }
0x84: {  	_ =	shalt  }
0x85: {  	_ =	shalt  }
0x86: {  	_ =	shalt  }
0x87: {  	_ =	shalt  }
.Lfunc_end0:
.L_simem_size_0:
called_computation_lowered:
.L_overlay_start_0:
0x88: {  	s2 =	sld [smem:$0x3FD9]  }
0x89: {  	s3 =	sld [smem:$0x3FFE];
	_ =	sdelay $0x1  }
0x8a: {  	s1 =	srdreg.scid  }
0x8b: {  	s0 =	sand.u32 $0x1, s1  }
0x8c: {  	s17 =	sshll.u32 s0, $0xA;
	s2 =	sadd.s32 s3, s2  }
0x8d: {  	s2 =	sadd.s32 s2, s17  }
0x8e: {  	[smem:$0x3FC6] =	sst s2  }
0x8f: {  	_ = 	snop  }
0x90: {  	s2 =	sld [smem:$0x3FC8]  }
0x91: {  	s18 =	sld [smem:$0x3FD0];
	(tm) =	ssettm $0x1  }
0x92: {  	s4 =	sld [smem:$0x3FFB];
	_ =	sdelay $0x3  }
0x93: {  	_ =	strace s4  }
0x94: {  	s4 =	sld [smem:$0x3FFC];
	_ =	sdelay $0x3  }
0x95: {  	_ =	strace s4  }
0x96: {  	s4 =	sld [smem:$0x3FFD];
	_ =	sdelay $0x3  }
0x97: {  	_ =	strace s4  }
0x98: {  	_ =	strace $0x8FFFFFFF  }
0x99: {  	s19 =	sld [smem:$0x3FDB];
	_ =	sdelay $0x1  }
0x9a: {  	s5 =	simm.s32 $_scs_section_size  }
0x9b: {  	s6 =	simm.s32 $_size__tile_overlayer_lowered;
	s7 =	simm.s32 $_tile_overlayer_lowered  }
0x9c: {  	s22 =	simm.s32 $0x1BFF;
	s21 =	sshll.u32 s7, $0x1;
	s4 =	sadd.s32 s5, s19  }
0x9d: {  	s8 =	simm.s32 $0x0;
	s20 =	sshll.u32 s6, $0x1;
	s6 =	sadd.s32 s21, s4  }
0x9e: {  	[timem:s8], [sflag:s22] =	dma.local [hbm:s6], s20  }
0x9f: {  	_ =	swait.ge [sflag:s22], s20  }
0xa0: {  	s5 =	ssub.s32 $0x0, s20;
	[sflag:s22] =	ssyncset.done $0x0  }
0xa1: {  	[sflag:s22] =	ssyncadd.s32 s5;
	_ =	sdelay $0x1  }
0xa2: {  	s23 =	simm.s32 $0x1B8B  }
0xa3: {  	_ =	swait.ge [sflag:s23], $0x1  }
0xa4: {  	[sflag:s23] =	ssyncset.done $0x0  }
0xa5: {  	s25 =	simm.s32 $0x1B8E;
	s24 =	sld [smem:$0x3FFE];
	[sflag:s23] =	ssyncadd.s32 $0xFFFFFFFF  }
0xa6: {  	s26 =	simm.s32 $execute0_lowered;
	[smem:$0x3FD2] =	sst s25  }
0xa7: {  	s6 =	sshll.u32 s26, $0x1;
	_ =	strace $0x80000046;
	[dreg:$0x1] =	wrdreg $0xFFFFFFFF  }
0xa8: {  	s28 =	simm.s32 $_size_execute0_lowered;
	s4 =	sadd.s32 s4, s6;
	[dreg:$0x0] =	wrdreg $0x0  }
0xa9: {  	s6 =	sshll.u32 s28, $0x1;
	[dreg:$0x2] =	wrdreg s4  }
0xaa: {  	[dreg:$0x3] =	wrdreg s6  }
0xab: {  	[dreg:$0x4] =	wrdreg $0xC0  }
0xac: {  	_ =	task [dreg:s8], $0x5FFFF  }
0xad: {  	[dreg:$0x1] =	wrdreg $0xFFFFFFFF  }
0xae: {  	[dreg:$0x0] =	wrdreg $0x60  }
0xaf: {  	[dreg:$0x2] =	wrdreg s24  }
0xb0: {  	[dreg:$0x3] =	wrdreg s2  }
0xb1: {  	[dreg:$0x4] =	wrdreg s18  }
0xb2: {  	[dreg:$0x5] =	wrdreg $0x9  }
0xb3: {  	_ =	task.clear_ibuf [dreg:s8], $0x6FFFF;
	_ =	strace $0x90000046  }
0xb4: {  	s29 =	simm.s32 $0x9;
	_ =	strace $0x80000048  }
0xb5: {  	_ =	swait.ge [sflag:s29], $0x1  }
0xb6: {  	[sflag:s29] =	ssyncadd.s32 $0xFFFFFFFF  }
0xb7: {  	_ =	strace $0x90000048  }
0xb8: {  	_ =	sfence  }
0xb9: {  	s30 =	sld [smem:$0x0];
	_ =	sdelay $0x2  }
0xba: {  	s31 =	sshll.u32 s1, $0xD;
	s1 =	sshrl.u32 s1, $0x2  }
0xbb: {  	s3 =	sand.u32 $0x4000, s31;
	s1 =	sadd.s32 s1, s30  }
0xbc: {  	s0 =	sor.u32 s3, s0;
	s1 =	sshll.u32 s1, $0x11  }
0xbd: {  	s0 =	sor.u32 s1, s0  }
0xbe: {  	s0 =	sadd.s32 $0x8F2B, s0  }
0xbf: {  	[sflag:s0] =	ssyncadd.remote.s32 $0x1  }
0xc0: {  	_ =	sfence.sel $0xFFFF  }
0xc1: {  	[dreg:$0x0] =	wrdreg $0xFFFFFFFF;
	(pc) =	sbr.abs _section_cstart, $3  }
0xc2: {  	[dreg:$0x1] =	wrdreg $0xFFFFFFFF  }
0xc3: {  	_ =	task.clear_ibuf [dreg:s8], $0x2FFFF;
	_ =	strace $0x9FFFFFFF  }
0xc4: {  	(tm) =	ssettm $0x7FFFFFFF  }
0xc5: {  	_ =	shalt  }
tec
execute0_lowered:
.L_overlay_start_1:
0x0: {  	(tag) =	ssettag $0x1  }
0x1: {  	s0 =	rddreg [dreg:$0x0]  }
0x2: {  	s21 =	rddreg [dreg:$0x1]  }
0x3: {  	s22 =	rddreg [dreg:$0x2];
	s4 =	simm.s32 $0x0  }
0x4: {  	[smem:$0x7FF] =	sst s4;
	s26 =	sadd.s32 $0x800, s21  }
0x5: {  	s28 =	sadd.s32 $0x1000, s21;
	_ =	strace $0x80000047;
	[dreg:$0x4] =	wrdreg s26  }
0x6: {  	s29 =	sadd.s32 $0x1800, s21;
	[dreg:$0x5] =	wrdreg s28  }
0x7: {  	s30 =	sadd.s32 $0x2000, s21;
	[dreg:$0x6] =	wrdreg s29  }
0x8: {  	s31 =	sadd.s32 $0x2800, s21;
	[dreg:$0x7] =	wrdreg s30  }
0x9: {  	s8 =	sadd.s32 $0x4000, s21;
	[dreg:$0x8] =	wrdreg s31  }
0xa: {  	s9 =	sadd.s32 $0x4800, s21;
	[dreg:$0xb] =	wrdreg s8  }
0xb: {  	s10 =	sadd.s32 $0x5000, s21;
	[dreg:$0xc] =	wrdreg s9  }
0xc: {  	s11 =	sadd.s32 $0x5800, s21;
	[dreg:$0xd] =	wrdreg s10  }
0xd: {  	s1 =	srdreg.scid;
	s12 =	sadd.s32 $0x6000, s21;
	[dreg:$0xe] =	wrdreg s11  }
0xe: {  	s7 =	stileid.u32;
	s13 =	sadd.s32 $0x6800, s21;
	[dreg:$0xf] =	wrdreg s12  }
0xf: {  	s1 =	sand.u32 $0x1, s1;
	s15 =	sadd.s32 $0x7000, s21;
	[dreg:$0x10] =	wrdreg s13  }
0x10: {  	s2 =	sshll.u32 s7, $0x1;
	s16 =	sadd.s32 $0x7800, s21;
	[dreg:$0x11] =	wrdreg s15  }
0x11: {  	s17 =	sshll.u32 s7, $0x6;
	s23 =	sadd.s32 $0x8800, s21;
	[dreg:$0x12] =	wrdreg s16  }
0x12: {  	s24 =	sadd.s32 $0x9000, s21;
	s25 =	sadd.s32 $0x9800, s21;
	[dreg:$0x14] =	wrdreg s23  }
0x13: {  	s2 =	sor.u32 s1, s2;
	s3 =	ssub.s32 $0x2, s1;
	[dreg:$0x15] =	wrdreg s24  }
0x14: {  	s1 =	sshll.u32 s1, $0x5;
	[dreg:$0x16] =	wrdreg s25;
	s26 =	sadd.s32 $0xA000, s21  }
0x15: {  	s28 =	sadd.s32 $0xA800, s21;
	s29 =	sadd.s32 $0xB000, s21;
	[dreg:$0x17] =	wrdreg s26  }
0x16: {  	s30 =	sadd.s32 $0xB800, s21;
	s5 =	sshll.u32 s2, $0x5;
	[dreg:$0x18] =	wrdreg s28  }
0x17: {  	s6 =	sshrl.u32 s3, $0x1;
	s1 =	sor.u32 s1, s17;
	[dreg:$0x19] =	wrdreg s29  }
0x18: {  	[dreg:$0x1a] =	wrdreg s30;
	s0 =	sadd.s32 s5, s0;
	s5 =	sadd.s32 $0x3000, s21  }
0x19: {  	s3 =	ssub.s32 s3, s6;
	s6 =	sadd.s32 $0x3800, s21;
	[dreg:$0x9] =	wrdreg s5  }
0x1a: {  	s14 =	smul.u32 $0x180000, s2;
	s20 =	sor.u32 $0x2, s1;
	[dreg:$0xa] =	wrdreg s6  }
0x1b: {  	s2 =	smul.u32 $0x30000, s2;
	s0 =	sadd.s32 $0x400, s0;
	[smem:$0x7FC] =	sst s20  }
0x1c: {  	s19 =	smax.u32 s3, $0x1;
	[dreg:$0x1d] =	wrdreg s0  }
0x1d: {  	s2 =	sadd.s32 s22, s2;
	[smem:$0x7FB] =	sst s19  }
0x1e: {  	s0 =	sshrl.u32 s14, $0x3;
	[dreg:$0x1e] =	wrdreg s2;
	s31 =	sadd.s32 $0x10, s2  }
0x1f: {  	s0 =	sadd.s32 s22, s0;
	s22 =	sadd.s32 $0x8000, s21;
	[smem:$0x7FD] =	sst s31  }
0x20: {  	s18 =	sadd.s32 $0x24060, s0;
	[dreg:$0x13] =	wrdreg s22  }
0x21: {  	v1 =	vlaneseq.u32;
	s0 =	sadd.s32 $0x24070, s0;
	[dreg:$0x1f] =	wrdreg s18  }
0x22: {  	v0 =	vimm.s32 $0x0;
	vm0 =	vmmov $0xffff;
	v1 =	vmul.u32 $0x8, v1;
	[smem:$0x7FA] =	sst s0;
	s0 =	simm.s32 $0x0  }
.LBB2_1:
0x23: {  	[smem:$0x7F9] =	sst s0  }
0x24: {  	s2 =	rddreg [dreg:$0x1d];
	s10 =	simm.s32 $0x5  }
0x25: {  	[tilespmem:s4], [sflag:$0x5] =	stream.linear.gather [hbm4b:s2+s4], $0x100, $0x38;
	[tilespmem:$0x18100] =	vst v63  }
0x26: {  	_ =	swait.ge [sflag:s10], $0x100  }
0x27: {  	[sflag:s10] =	ssyncset.done $0x0  }
0x28: {  	[sflag:s10] =	ssyncadd.s32 $0xFFFFFF00  }
0x29: {  	v2 =	vld.msk [tilespmem:$0x0], $0x1;
	_ =	sdelay $0x4  }
0x2a: {  	v3 =	vshrl.u32 v2, $0x3  }
0x2b: {  	v3 =	vmul.u32 $0xC00, v3  }
0x2c: {  	v2 =	vand.u32 $0x7, v2  }
0x2d: {  	v2 =	vor.u32 v2, v3  }
0x2e: {  	v2 =	vperm.xlane v2, v0;
	_ =	sdelay $0x1  }
0x2f: {  	v2 =	vadd.s32 v1, v2;
	_ =	sdelay $0x3  }
0x30: {  	s11 =	simm.s32 $0x100;
	s1 =	rddreg [dreg:$0x1]  }
0x31: {  	[tilespmem:s11], [sflag:$0x1] =	stream.indirect_vreg.gather [hbm4b:s1+s4], $0x80, v2, vm0, $0xb8;
	[tilespmem:$0x18100] =	vst v63  }
0x32: {  	s12 =	simm.s32 $0x900;
	s22 =	rddreg [dreg:$0x4]  }
0x33: {  	[tilespmem:s12], [sflag:$0x1] =	stream.indirect_vreg.gather [hbm4b:s22+s4], $0x80, v2, vm0, $0xb8;
	[tilespmem:$0x18100] =	vst v63  }
0x34: {  	s13 =	simm.s32 $0x1100;
	s23 =	rddreg [dreg:$0x5]  }
0x35: {  	[tilespmem:s13], [sflag:$0x1] =	stream.indirect_vreg.gather [hbm4b:s23+s4], $0x80, v2, vm0, $0xb8;
	[tilespmem:$0x18100] =	vst v63  }
0x36: {  	s14 =	simm.s32 $0x1900;
	s21 =	rddreg [dreg:$0x6]  }
0x37: {  	[tilespmem:s14], [sflag:$0x1] =	stream.indirect_vreg.gather [hbm4b:s21+s4], $0x80, v2, vm0, $0xb8;
	[tilespmem:$0x18100] =	vst v63  }
0x38: {  	s15 =	simm.s32 $0x2100;
	s9 =	rddreg [dreg:$0x7]  }
0x39: {  	[tilespmem:s15], [sflag:$0x1] =	stream.indirect_vreg.gather [hbm4b:s9+s4], $0x80, v2, vm0, $0xb8;
	[tilespmem:$0x18100] =	vst v63  }
0x3a: {  	s16 =	simm.s32 $0x2900;
	s10 =	rddreg [dreg:$0x8]  }
0x3b: {  	[tilespmem:s16], [sflag:$0x1] =	stream.indirect_vreg.gather [hbm4b:s10+s4], $0x80, v2, vm0, $0xb8;
	[tilespmem:$0x18100] =	vst v63  }
0x3c: {  	s17 =	simm.s32 $0x3100;
	s11 =	rddreg [dreg:$0x9]  }
0x3d: {  	[tilespmem:s17], [sflag:$0x1] =	stream.indirect_vreg.gather [hbm4b:s11+s4], $0x80, v2, vm0, $0xb8;
	[tilespmem:$0x18100] =	vst v63  }
0x3e: {  	s18 =	simm.s32 $0x3900;
	s12 =	rddreg [dreg:$0xa]  }
0x3f: {  	[tilespmem:s18], [sflag:$0x1] =	stream.indirect_vreg.gather [hbm4b:s12+s4], $0x80, v2, vm0, $0xb8;
	[tilespmem:$0x18100] =	vst v63  }
0x40: {  	s19 =	simm.s32 $0x4100;
	s13 =	rddreg [dreg:$0xb]  }
0x41: {  	[tilespmem:s19], [sflag:$0x1] =	stream.indirect_vreg.gather [hbm4b:s13+s4], $0x80, v2, vm0, $0xb8;
	[tilespmem:$0x18100] =	vst v63  }
0x42: {  	s20 =	simm.s32 $0x4900;
	s14 =	rddreg [dreg:$0xc]  }
0x43: {  	[tilespmem:s20], [sflag:$0x1] =	stream.indirect_vreg.gather [hbm4b:s14+s4], $0x80, v2, vm0, $0xb8;
	[tilespmem:$0x18100] =	vst v63  }
0x44: {  	s24 =	simm.s32 $0x5100;
	s15 =	rddreg [dreg:$0xd]  }
0x45: {  	[tilespmem:s24], [sflag:$0x1] =	stream.indirect_vreg.gather [hbm4b:s15+s4], $0x80, v2, vm0, $0xb8;
	[tilespmem:$0x18100] =	vst v63  }
0x46: {  	s25 =	simm.s32 $0x5900;
	s16 =	rddreg [dreg:$0xe]  }
0x47: {  	[tilespmem:s25], [sflag:$0x1] =	stream.indirect_vreg.gather [hbm4b:s16+s4], $0x80, v2, vm0, $0xb8;
	[tilespmem:$0x18100] =	vst v63  }
0x48: {  	s26 =	simm.s32 $0x6100;
	s17 =	rddreg [dreg:$0xf]  }
0x49: {  	[tilespmem:s26], [sflag:$0x1] =	stream.indirect_vreg.gather [hbm4b:s17+s4], $0x80, v2, vm0, $0xb8;
	[tilespmem:$0x18100] =	vst v63  }
0x4a: {  	s28 =	simm.s32 $0x6900;
	s18 =	rddreg [dreg:$0x10]  }
0x4b: {  	[tilespmem:s28], [sflag:$0x1] =	stream.indirect_vreg.gather [hbm4b:s18+s4], $0x80, v2, vm0, $0xb8;
	[tilespmem:$0x18100] =	vst v63  }
0x4c: {  	s29 =	simm.s32 $0x7100;
	s19 =	rddreg [dreg:$0x11]  }
0x4d: {  	[tilespmem:s29], [sflag:$0x1] =	stream.indirect_vreg.gather [hbm4b:s19+s4], $0x80, v2, vm0, $0xb8;
	[tilespmem:$0x18100] =	vst v63  }
0x4e: {  	s30 =	simm.s32 $0x7900;
	s20 =	rddreg [dreg:$0x12]  }
0x4f: {  	[tilespmem:s30], [sflag:$0x1] =	stream.indirect_vreg.gather [hbm4b:s20+s4], $0x80, v2, vm0, $0xb8;
	[tilespmem:$0x18100] =	vst v63  }
0x50: {  	s31 =	simm.s32 $0x8100;
	s25 =	rddreg [dreg:$0x13]  }
0x51: {  	[tilespmem:s31], [sflag:$0x1] =	stream.indirect_vreg.gather [hbm4b:s25+s4], $0x80, v2, vm0, $0xb8;
	[tilespmem:$0x18100] =	vst v63  }
0x52: {  	s2 =	simm.s32 $0x8900;
	s26 =	rddreg [dreg:$0x14]  }
0x53: {  	[tilespmem:s2], [sflag:$0x1] =	stream.indirect_vreg.gather [hbm4b:s26+s4], $0x80, v2, vm0, $0xb8;
	[tilespmem:$0x18100] =	vst v63  }
0x54: {  	s3 =	simm.s32 $0x9100;
	s28 =	rddreg [dreg:$0x15]  }
0x55: {  	[tilespmem:s3], [sflag:$0x1] =	stream.indirect_vreg.gather [hbm4b:s28+s4], $0x80, v2, vm0, $0xb8;
	[tilespmem:$0x18100] =	vst v63  }
0x56: {  	s5 =	simm.s32 $0x9900;
	s29 =	rddreg [dreg:$0x16]  }
0x57: {  	[tilespmem:s5], [sflag:$0x1] =	stream.indirect_vreg.gather [hbm4b:s29+s4], $0x80, v2, vm0, $0xb8;
	[tilespmem:$0x18100] =	vst v63  }
0x58: {  	s6 =	simm.s32 $0xA100;
	s30 =	rddreg [dreg:$0x17]  }
0x59: {  	[tilespmem:s6], [sflag:$0x1] =	stream.indirect_vreg.gather [hbm4b:s30+s4], $0x80, v2, vm0, $0xb8;
	[tilespmem:$0x18100] =	vst v63  }
0x5a: {  	s7 =	simm.s32 $0xA900;
	s5 =	rddreg [dreg:$0x18]  }
0x5b: {  	[tilespmem:s7], [sflag:$0x1] =	stream.indirect_vreg.gather [hbm4b:s5+s4], $0x80, v2, vm0, $0xb8;
	[tilespmem:$0x18100] =	vst v63  }
0x5c: {  	s8 =	simm.s32 $0xB100;
	s7 =	rddreg [dreg:$0x19]  }
0x5d: {  	[tilespmem:s8], [sflag:$0x1] =	stream.indirect_vreg.gather [hbm4b:s7+s4], $0x80, v2, vm0, $0xb8;
	[tilespmem:$0x18100] =	vst v63  }
0x5e: {  	s24 =	simm.s32 $0xB900;
	s8 =	rddreg [dreg:$0x1a]  }
0x5f: {  	[tilespmem:s24], [sflag:$0x1] =	stream.indirect_vreg.gather [hbm4b:s8+s4], $0x80, v2, vm0, $0xb8;
	[tilespmem:$0x18100] =	vst v63  }
0x60: {  	v2 =	vld.msk [tilespmem:$0x8], $0x1;
	_ =	sdelay $0x4  }
0x61: {  	v3 =	vshrl.u32 v2, $0x3  }
0x62: {  	v3 =	vmul.u32 $0xC00, v3  }
0x63: {  	v2 =	vand.u32 $0x7, v2  }
0x64: {  	v2 =	vor.u32 v2, v3  }
0x65: {  	v2 =	vperm.xlane v2, v0;
	_ =	sdelay $0x1  }
0x66: {  	v2 =	vadd.s32 v1, v2;
	_ =	sdelay $0x3  }
0x67: {  	s31 =	simm.s32 $0xC100  }
0x68: {  	[tilespmem:s31], [sflag:$0x2] =	stream.indirect_vreg.gather [hbm4b:s1+s4], $0x80, v2, vm0, $0xb8;
	[tilespmem:$0x18100] =	vst v63  }
0x69: {  	s2 =	simm.s32 $0xC900  }
0x6a: {  	[tilespmem:s2], [sflag:$0x2] =	stream.indirect_vreg.gather [hbm4b:s22+s4], $0x80, v2, vm0, $0xb8;
	[tilespmem:$0x18100] =	vst v63  }
0x6b: {  	s3 =	simm.s32 $0xD100  }
0x6c: {  	[tilespmem:s3], [sflag:$0x2] =	stream.indirect_vreg.gather [hbm4b:s23+s4], $0x80, v2, vm0, $0xb8;
	[tilespmem:$0x18100] =	vst v63  }
0x6d: {  	s6 =	simm.s32 $0xD900  }
0x6e: {  	[tilespmem:s6], [sflag:$0x2] =	stream.indirect_vreg.gather [hbm4b:s21+s4], $0x80, v2, vm0, $0xb8;
	[tilespmem:$0x18100] =	vst v63  }
0x6f: {  	s24 =	simm.s32 $0xE100  }
0x70: {  	[tilespmem:s24], [sflag:$0x2] =	stream.indirect_vreg.gather [hbm4b:s9+s4], $0x80, v2, vm0, $0xb8;
	[tilespmem:$0x18100] =	vst v63  }
0x71: {  	s1 =	simm.s32 $0xE900  }
0x72: {  	[tilespmem:s1], [sflag:$0x2] =	stream.indirect_vreg.gather [hbm4b:s10+s4], $0x80, v2, vm0, $0xb8;
	[tilespmem:$0x18100] =	vst v63  }
0x73: {  	s2 =	simm.s32 $0xF100  }
0x74: {  	[tilespmem:s2], [sflag:$0x2] =	stream.indirect_vreg.gather [hbm4b:s11+s4], $0x80, v2, vm0, $0xb8;
	[tilespmem:$0x18100] =	vst v63  }
0x75: {  	s3 =	simm.s32 $0xF900  }
0x76: {  	[tilespmem:s3], [sflag:$0x2] =	stream.indirect_vreg.gather [hbm4b:s12+s4], $0x80, v2, vm0, $0xb8;
	[tilespmem:$0x18100] =	vst v63  }
0x77: {  	s6 =	simm.s32 $0x10100  }
0x78: {  	[tilespmem:s6], [sflag:$0x2] =	stream.indirect_vreg.gather [hbm4b:s13+s4], $0x80, v2, vm0, $0xb8;
	[tilespmem:$0x18100] =	vst v63  }
0x79: {  	s24 =	simm.s32 $0x10900  }
0x7a: {  	[tilespmem:s24], [sflag:$0x2] =	stream.indirect_vreg.gather [hbm4b:s14+s4], $0x80, v2, vm0, $0xb8;
	[tilespmem:$0x18100] =	vst v63  }
0x7b: {  	s1 =	simm.s32 $0x11100  }
0x7c: {  	[tilespmem:s1], [sflag:$0x2] =	stream.indirect_vreg.gather [hbm4b:s15+s4], $0x80, v2, vm0, $0xb8;
	[tilespmem:$0x18100] =	vst v63  }
0x7d: {  	s2 =	simm.s32 $0x11900  }
0x7e: {  	[tilespmem:s2], [sflag:$0x2] =	stream.indirect_vreg.gather [hbm4b:s16+s4], $0x80, v2, vm0, $0xb8;
	[tilespmem:$0x18100] =	vst v63  }
0x7f: {  	s3 =	simm.s32 $0x12100  }
0x80: {  	[tilespmem:s3], [sflag:$0x2] =	stream.indirect_vreg.gather [hbm4b:s17+s4], $0x80, v2, vm0, $0xb8;
	[tilespmem:$0x18100] =	vst v63  }
0x81: {  	s6 =	simm.s32 $0x12900  }
0x82: {  	[tilespmem:s6], [sflag:$0x2] =	stream.indirect_vreg.gather [hbm4b:s18+s4], $0x80, v2, vm0, $0xb8;
	[tilespmem:$0x18100] =	vst v63  }
0x83: {  	s24 =	simm.s32 $0x13100  }
0x84: {  	[tilespmem:s24], [sflag:$0x2] =	stream.indirect_vreg.gather [hbm4b:s19+s4], $0x80, v2, vm0, $0xb8;
	[tilespmem:$0x18100] =	vst v63  }
0x85: {  	s1 =	simm.s32 $0x13900  }
0x86: {  	[tilespmem:s1], [sflag:$0x2] =	stream.indirect_vreg.gather [hbm4b:s20+s4], $0x80, v2, vm0, $0xb8;
	[tilespmem:$0x18100] =	vst v63  }
0x87: {  	s2 =	simm.s32 $0x14100  }
0x88: {  	[tilespmem:s2], [sflag:$0x2] =	stream.indirect_vreg.gather [hbm4b:s25+s4], $0x80, v2, vm0, $0xb8;
	[tilespmem:$0x18100] =	vst v63  }
0x89: {  	s3 =	simm.s32 $0x14900  }
0x8a: {  	[tilespmem:s3], [sflag:$0x2] =	stream.indirect_vreg.gather [hbm4b:s26+s4], $0x80, v2, vm0, $0xb8;
	[tilespmem:$0x18100] =	vst v63  }
0x8b: {  	s6 =	simm.s32 $0x15100  }
0x8c: {  	[tilespmem:s6], [sflag:$0x2] =	stream.indirect_vreg.gather [hbm4b:s28+s4], $0x80, v2, vm0, $0xb8;
	[tilespmem:$0x18100] =	vst v63  }
0x8d: {  	s24 =	simm.s32 $0x15900  }
0x8e: {  	[tilespmem:s24], [sflag:$0x2] =	stream.indirect_vreg.gather [hbm4b:s29+s4], $0x80, v2, vm0, $0xb8;
	[tilespmem:$0x18100] =	vst v63  }
0x8f: {  	s1 =	simm.s32 $0x16100  }
0x90: {  	[tilespmem:s1], [sflag:$0x2] =	stream.indirect_vreg.gather [hbm4b:s30+s4], $0x80, v2, vm0, $0xb8;
	[tilespmem:$0x18100] =	vst v63  }
0x91: {  	s2 =	simm.s32 $0x16900  }
0x92: {  	[tilespmem:s2], [sflag:$0x2] =	stream.indirect_vreg.gather [hbm4b:s5+s4], $0x80, v2, vm0, $0xb8;
	[tilespmem:$0x18100] =	vst v63  }
0x93: {  	s3 =	simm.s32 $0x17100  }
0x94: {  	[tilespmem:s3], [sflag:$0x2] =	stream.indirect_vreg.gather [hbm4b:s7+s4], $0x80, v2, vm0, $0xb8;
	[tilespmem:$0x18100] =	vst v63  }
0x95: {  	s6 =	simm.s32 $0x17900  }
0x96: {  	[tilespmem:s6], [sflag:$0x2] =	stream.indirect_vreg.gather [hbm4b:s8+s4], $0x80, v2, vm0, $0xb8;
	[tilespmem:$0x18100] =	vst v63  }
0x97: {  	s6 =	simm.s32 $0x1  }
0x98: {  	_ =	swait.ge [sflag:s6], $0xC000  }
0x99: {  	s0 =	simm.s32 $0x400;
	s1 =	simm.s32 $0x80;
	[sflag:s6] =	ssyncset.done $0x0  }
0x9a: {  	s3 =	simm.s32 $0x100;
	s24 =	rddreg [dreg:$0x1e];
	[sflag:s6] =	ssyncadd.s32 $0xFFFF4000  }
0x9b: {  	[hbm4b:s24+s1] =	stream.strided.scatter [tilespmem:s3], [sflag:$0x3], $0xC000, s0, s1, $0x38;
	[tilespmem:$0x18100] =	vst v63  }
0x9c: {  	s24 =	simm.s32 $0x2  }
0x9d: {  	_ =	swait.ge [sflag:s24], $0xC000  }
0x9e: {  	s2 =	sld [smem:$0x7FD]  }
0x9f: {  	[sflag:s24] =	ssyncset.done $0x0  }
0xa0: {  	s31 =	simm.s32 $0xC100;
	[sflag:s24] =	ssyncadd.s32 $0xFFFF4000  }
0xa1: {  	[hbm4b:s2+s1] =	stream.strided.scatter [tilespmem:s31], [sflag:$0x4], $0xC000, s0, s1, $0x38;
	[tilespmem:$0x18100] =	vst v63  }
0xa2: {  	s31 =	simm.s32 $0x3  }
0xa3: {  	_ =	swait.ge [sflag:s31], $0xC000  }
0xa4: {  	[sflag:s31] =	ssyncset.done $0x0  }
0xa5: {  	[sflag:s31] =	ssyncadd.s32 $0xFFFF4000  }
0xa6: {  	v2 =	vld.msk [tilespmem:$0x10], $0x1;
	_ =	sdelay $0x4  }
0xa7: {  	v3 =	vshrl.u32 v2, $0x3  }
0xa8: {  	v3 =	vmul.u32 $0xC00, v3  }
0xa9: {  	v2 =	vand.u32 $0x7, v2  }
0xaa: {  	v2 =	vor.u32 v2, v3  }
0xab: {  	v2 =	vperm.xlane v2, v0;
	_ =	sdelay $0x1  }
0xac: {  	v2 =	vadd.s32 v1, v2;
	_ =	sdelay $0x3  }
0xad: {  	s2 =	rddreg [dreg:$0x1]  }
0xae: {  	[tilespmem:s3], [sflag:$0x1] =	stream.indirect_vreg.gather [hbm4b:s2+s4], $0x80, v2, vm0, $0xb8;
	[tilespmem:$0x18100] =	vst v63  }
0xaf: {  	s3 =	simm.s32 $0x900  }
0xb0: {  	[tilespmem:s3], [sflag:$0x1] =	stream.indirect_vreg.gather [hbm4b:s22+s4], $0x80, v2, vm0, $0xb8;
	[tilespmem:$0x18100] =	vst v63  }
0xb1: {  	s1 =	simm.s32 $0x1100  }
0xb2: {  	[tilespmem:s1], [sflag:$0x1] =	stream.indirect_vreg.gather [hbm4b:s23+s4], $0x80, v2, vm0, $0xb8;
	[tilespmem:$0x18100] =	vst v63  }
0xb3: {  	s2 =	simm.s32 $0x1900  }
0xb4: {  	[tilespmem:s2], [sflag:$0x1] =	stream.indirect_vreg.gather [hbm4b:s21+s4], $0x80, v2, vm0, $0xb8;
	[tilespmem:$0x18100] =	vst v63  }
0xb5: {  	s3 =	simm.s32 $0x2100  }
0xb6: {  	[tilespmem:s3], [sflag:$0x1] =	stream.indirect_vreg.gather [hbm4b:s9+s4], $0x80, v2, vm0, $0xb8;
	[tilespmem:$0x18100] =	vst v63  }
0xb7: {  	s1 =	simm.s32 $0x2900  }
0xb8: {  	[tilespmem:s1], [sflag:$0x1] =	stream.indirect_vreg.gather [hbm4b:s10+s4], $0x80, v2, vm0, $0xb8;
	[tilespmem:$0x18100] =	vst v63  }
0xb9: {  	s2 =	simm.s32 $0x3100  }
0xba: {  	[tilespmem:s2], [sflag:$0x1] =	stream.indirect_vreg.gather [hbm4b:s11+s4], $0x80, v2, vm0, $0xb8;
	[tilespmem:$0x18100] =	vst v63  }
0xbb: {  	s3 =	simm.s32 $0x3900  }
0xbc: {  	[tilespmem:s3], [sflag:$0x1] =	stream.indirect_vreg.gather [hbm4b:s12+s4], $0x80, v2, vm0, $0xb8;
	[tilespmem:$0x18100] =	vst v63  }
0xbd: {  	s1 =	simm.s32 $0x4100  }
0xbe: {  	[tilespmem:s1], [sflag:$0x1] =	stream.indirect_vreg.gather [hbm4b:s13+s4], $0x80, v2, vm0, $0xb8;
	[tilespmem:$0x18100] =	vst v63  }
0xbf: {  	s2 =	simm.s32 $0x4900  }
0xc0: {  	[tilespmem:s2], [sflag:$0x1] =	stream.indirect_vreg.gather [hbm4b:s14+s4], $0x80, v2, vm0, $0xb8;
	[tilespmem:$0x18100] =	vst v63  }
0xc1: {  	s3 =	simm.s32 $0x5100  }
0xc2: {  	[tilespmem:s3], [sflag:$0x1] =	stream.indirect_vreg.gather [hbm4b:s15+s4], $0x80, v2, vm0, $0xb8;
	[tilespmem:$0x18100] =	vst v63  }
0xc3: {  	s1 =	simm.s32 $0x5900  }
0xc4: {  	[tilespmem:s1], [sflag:$0x1] =	stream.indirect_vreg.gather [hbm4b:s16+s4], $0x80, v2, vm0, $0xb8;
	[tilespmem:$0x18100] =	vst v63  }
0xc5: {  	s2 =	simm.s32 $0x6100  }
0xc6: {  	[tilespmem:s2], [sflag:$0x1] =	stream.indirect_vreg.gather [hbm4b:s17+s4], $0x80, v2, vm0, $0xb8;
	[tilespmem:$0x18100] =	vst v63  }
0xc7: {  	s3 =	simm.s32 $0x6900  }
0xc8: {  	[tilespmem:s3], [sflag:$0x1] =	stream.indirect_vreg.gather [hbm4b:s18+s4], $0x80, v2, vm0, $0xb8;
	[tilespmem:$0x18100] =	vst v63  }
0xc9: {  	s1 =	simm.s32 $0x7100  }
0xca: {  	[tilespmem:s1], [sflag:$0x1] =	stream.indirect_vreg.gather [hbm4b:s19+s4], $0x80, v2, vm0, $0xb8;
	[tilespmem:$0x18100] =	vst v63  }
0xcb: {  	s2 =	simm.s32 $0x7900  }
0xcc: {  	[tilespmem:s2], [sflag:$0x1] =	stream.indirect_vreg.gather [hbm4b:s20+s4], $0x80, v2, vm0, $0xb8;
	[tilespmem:$0x18100] =	vst v63  }
0xcd: {  	s3 =	simm.s32 $0x8100  }
0xce: {  	[tilespmem:s3], [sflag:$0x1] =	stream.indirect_vreg.gather [hbm4b:s25+s4], $0x80, v2, vm0, $0xb8;
	[tilespmem:$0x18100] =	vst v63  }
0xcf: {  	s1 =	simm.s32 $0x8900  }
0xd0: {  	[tilespmem:s1], [sflag:$0x1] =	stream.indirect_vreg.gather [hbm4b:s26+s4], $0x80, v2, vm0, $0xb8;
	[tilespmem:$0x18100] =	vst v63  }
0xd1: {  	s2 =	simm.s32 $0x9100  }
0xd2: {  	[tilespmem:s2], [sflag:$0x1] =	stream.indirect_vreg.gather [hbm4b:s28+s4], $0x80, v2, vm0, $0xb8;
	[tilespmem:$0x18100] =	vst v63  }
0xd3: {  	s3 =	simm.s32 $0x9900  }
0xd4: {  	[tilespmem:s3], [sflag:$0x1] =	stream.indirect_vreg.gather [hbm4b:s29+s4], $0x80, v2, vm0, $0xb8;
	[tilespmem:$0x18100] =	vst v63  }
0xd5: {  	s1 =	simm.s32 $0xA100  }
0xd6: {  	[tilespmem:s1], [sflag:$0x1] =	stream.indirect_vreg.gather [hbm4b:s30+s4], $0x80, v2, vm0, $0xb8;
	[tilespmem:$0x18100] =	vst v63  }
0xd7: {  	s2 =	simm.s32 $0xA900  }
0xd8: {  	[tilespmem:s2], [sflag:$0x1] =	stream.indirect_vreg.gather [hbm4b:s5+s4], $0x80, v2, vm0, $0xb8;
	[tilespmem:$0x18100] =	vst v63  }
0xd9: {  	s2 =	sld [smem:$0x7FC]  }
0xda: {  	s3 =	simm.s32 $0xB100  }
0xdb: {  	[tilespmem:s3], [sflag:$0x1] =	stream.indirect_vreg.gather [hbm4b:s7+s4], $0x80, v2, vm0, $0xb8;
	[tilespmem:$0x18100] =	vst v63  }
0xdc: {  	s1 =	simm.s32 $0xB900;
	s3 =	sshrl.u32 s2, $0x3  }
0xdd: {  	[tilespmem:s1], [sflag:$0x1] =	stream.indirect_vreg.gather [hbm4b:s8+s4], $0x80, v2, vm0, $0xb8;
	[tilespmem:$0x18100] =	vst v63  }
0xde: {  	s0 =	simm.s32 $0x100;
	s2 =	smul.u32 $0x60000, s3;
	_ =	swait.ge [sflag:s6], $0xC000  }
0xdf: {  	s3 =	sand.u32 $0x300, s0;
	[sflag:s6] =	ssyncset.done $0x0  }
0xe0: {  	s3 =	sor.u32 s3, s2;
	[sflag:s6] =	ssyncadd.s32 $0xFFFF4000  }
0xe1: {  	s1 =	simm.s32 $0x400;
	s3 =	sshrl.u32 s3, $0x3;
	s6 =	rddreg [dreg:$0x2]  }
0xe2: {  	s0 =	simm.s32 $0x100;
	s3 =	sadd.s32 s6, s3;
	s6 =	simm.s32 $0x80  }
0xe3: {  	[hbm4b:s3+s6] =	stream.strided.scatter [tilespmem:s0], [sflag:$0x3], $0xC000, s1, s6, $0x38;
	[tilespmem:$0x18100] =	vst v63  }
0xe4: {  	s1 =	simm.s32 $0x4  }
0xe5: {  	_ =	swait.ge [sflag:s1], $0xC000  }
0xe6: {  	[sflag:s1] =	ssyncset.done $0x0  }
0xe7: {  	s0 =	simm.s32 $0x20;
	[sflag:s1] =	ssyncadd.s32 $0xFFFF4000  }
0xe8: {  	v2 =	vld.msk [tilespmem:s0+$0xFFFFFFF8], $0x1;
	_ =	sdelay $0x4  }
0xe9: {  	v3 =	vshrl.u32 v2, $0x3  }
0xea: {  	v3 =	vmul.u32 $0xC00, v3  }
0xeb: {  	v2 =	vand.u32 $0x7, v2  }
0xec: {  	v2 =	vor.u32 v2, v3  }
0xed: {  	v2 =	vperm.xlane v2, v0;
	_ =	sdelay $0x1  }
0xee: {  	v2 =	vadd.s32 v1, v2;
	_ =	sdelay $0x3  }
0xef: {  	s3 =	simm.s32 $0xC100;
	s1 =	rddreg [dreg:$0x1]  }
0xf0: {  	[tilespmem:s3], [sflag:$0x2] =	stream.indirect_vreg.gather [hbm4b:s1+s4], $0x80, v2, vm0, $0xb8;
	[tilespmem:$0x18100] =	vst v63  }
0xf1: {  	s3 =	simm.s32 $0xC900  }
0xf2: {  	[tilespmem:s3], [sflag:$0x2] =	stream.indirect_vreg.gather [hbm4b:s22+s4], $0x80, v2, vm0, $0xb8;
	[tilespmem:$0x18100] =	vst v63  }
0xf3: {  	s6 =	simm.s32 $0xD100  }
0xf4: {  	[tilespmem:s6], [sflag:$0x2] =	stream.indirect_vreg.gather [hbm4b:s23+s4], $0x80, v2, vm0, $0xb8;
	[tilespmem:$0x18100] =	vst v63  }
0xf5: {  	s3 =	simm.s32 $0xD900  }
0xf6: {  	[tilespmem:s3], [sflag:$0x2] =	stream.indirect_vreg.gather [hbm4b:s21+s4], $0x80, v2, vm0, $0xb8;
	[tilespmem:$0x18100] =	vst v63  }
0xf7: {  	s6 =	simm.s32 $0xE100  }
0xf8: {  	[tilespmem:s6], [sflag:$0x2] =	stream.indirect_vreg.gather [hbm4b:s9+s4], $0x80, v2, vm0, $0xb8;
	[tilespmem:$0x18100] =	vst v63  }
0xf9: {  	s3 =	simm.s32 $0xE900  }
0xfa: {  	[tilespmem:s3], [sflag:$0x2] =	stream.indirect_vreg.gather [hbm4b:s10+s4], $0x80, v2, vm0, $0xb8;
	[tilespmem:$0x18100] =	vst v63  }
0xfb: {  	s6 =	simm.s32 $0xF100  }
0xfc: {  	[tilespmem:s6], [sflag:$0x2] =	stream.indirect_vreg.gather [hbm4b:s11+s4], $0x80, v2, vm0, $0xb8;
	[tilespmem:$0x18100] =	vst v63  }
0xfd: {  	s3 =	simm.s32 $0xF900  }
0xfe: {  	[tilespmem:s3], [sflag:$0x2] =	stream.indirect_vreg.gather [hbm4b:s12+s4], $0x80, v2, vm0, $0xb8;
	[tilespmem:$0x18100] =	vst v63  }
0xff: {  	s6 =	simm.s32 $0x10100  }
0x100: {  	[tilespmem:s6], [sflag:$0x2] =	stream.indirect_vreg.gather [hbm4b:s13+s4], $0x80, v2, vm0, $0xb8;
	[tilespmem:$0x18100] =	vst v63  }
0x101: {  	s3 =	simm.s32 $0x10900  }
0x102: {  	[tilespmem:s3], [sflag:$0x2] =	stream.indirect_vreg.gather [hbm4b:s14+s4], $0x80, v2, vm0, $0xb8;
	[tilespmem:$0x18100] =	vst v63  }
0x103: {  	s6 =	simm.s32 $0x11100  }
0x104: {  	[tilespmem:s6], [sflag:$0x2] =	stream.indirect_vreg.gather [hbm4b:s15+s4], $0x80, v2, vm0, $0xb8;
	[tilespmem:$0x18100] =	vst v63  }
0x105: {  	s3 =	simm.s32 $0x11900  }
0x106: {  	[tilespmem:s3], [sflag:$0x2] =	stream.indirect_vreg.gather [hbm4b:s16+s4], $0x80, v2, vm0, $0xb8;
	[tilespmem:$0x18100] =	vst v63  }
0x107: {  	s6 =	simm.s32 $0x12100  }
0x108: {  	[tilespmem:s6], [sflag:$0x2] =	stream.indirect_vreg.gather [hbm4b:s17+s4], $0x80, v2, vm0, $0xb8;
	[tilespmem:$0x18100] =	vst v63  }
0x109: {  	s3 =	simm.s32 $0x12900  }
0x10a: {  	[tilespmem:s3], [sflag:$0x2] =	stream.indirect_vreg.gather [hbm4b:s18+s4], $0x80, v2, vm0, $0xb8;
	[tilespmem:$0x18100] =	vst v63  }
0x10b: {  	s6 =	simm.s32 $0x13100  }
0x10c: {  	[tilespmem:s6], [sflag:$0x2] =	stream.indirect_vreg.gather [hbm4b:s19+s4], $0x80, v2, vm0, $0xb8;
	[tilespmem:$0x18100] =	vst v63  }
0x10d: {  	s3 =	simm.s32 $0x13900  }
0x10e: {  	[tilespmem:s3], [sflag:$0x2] =	stream.indirect_vreg.gather [hbm4b:s20+s4], $0x80, v2, vm0, $0xb8;
	[tilespmem:$0x18100] =	vst v63  }
0x10f: {  	s6 =	simm.s32 $0x14100  }
0x110: {  	[tilespmem:s6], [sflag:$0x2] =	stream.indirect_vreg.gather [hbm4b:s25+s4], $0x80, v2, vm0, $0xb8;
	[tilespmem:$0x18100] =	vst v63  }
0x111: {  	s3 =	simm.s32 $0x14900  }
0x112: {  	[tilespmem:s3], [sflag:$0x2] =	stream.indirect_vreg.gather [hbm4b:s26+s4], $0x80, v2, vm0, $0xb8;
	[tilespmem:$0x18100] =	vst v63  }
0x113: {  	s6 =	simm.s32 $0x15100  }
0x114: {  	[tilespmem:s6], [sflag:$0x2] =	stream.indirect_vreg.gather [hbm4b:s28+s4], $0x80, v2, vm0, $0xb8;
	[tilespmem:$0x18100] =	vst v63  }
0x115: {  	s3 =	simm.s32 $0x15900  }
0x116: {  	[tilespmem:s3], [sflag:$0x2] =	stream.indirect_vreg.gather [hbm4b:s29+s4], $0x80, v2, vm0, $0xb8;
	[tilespmem:$0x18100] =	vst v63  }
0x117: {  	s6 =	simm.s32 $0x16100  }
0x118: {  	[tilespmem:s6], [sflag:$0x2] =	stream.indirect_vreg.gather [hbm4b:s30+s4], $0x80, v2, vm0, $0xb8;
	[tilespmem:$0x18100] =	vst v63  }
0x119: {  	s3 =	simm.s32 $0x16900  }
0x11a: {  	[tilespmem:s3], [sflag:$0x2] =	stream.indirect_vreg.gather [hbm4b:s5+s4], $0x80, v2, vm0, $0xb8;
	[tilespmem:$0x18100] =	vst v63  }
0x11b: {  	s5 =	simm.s32 $0x180;
	s3 =	simm.s32 $0x17100  }
0x11c: {  	[tilespmem:s3], [sflag:$0x2] =	stream.indirect_vreg.gather [hbm4b:s7+s4], $0x80, v2, vm0, $0xb8;
	[tilespmem:$0x18100] =	vst v63  }
0x11d: {  	s6 =	sand.u32 $0x380, s5;
	s5 =	simm.s32 $0x17900  }
0x11e: {  	[tilespmem:s5], [sflag:$0x2] =	stream.indirect_vreg.gather [hbm4b:s8+s4], $0x80, v2, vm0, $0xb8;
	[tilespmem:$0x18100] =	vst v63  }
0x11f: {  	_ =	swait.ge [sflag:s24], $0xC000  }
0x120: {  	s2 =	sor.u32 s6, s2;
	s7 =	simm.s32 $0xC100;
	[sflag:s24] =	ssyncset.done $0x0  }
0x121: {  	s2 =	sshrl.u32 s2, $0x3;
	s8 =	simm.s32 $0x80;
	s6 =	rddreg [dreg:$0x2]  }
0x122: {  	[sflag:s24] =	ssyncadd.s32 $0xFFFF4000;
	s24 =	simm.s32 $0x400;
	s2 =	sadd.s32 s6, s2  }
0x123: {  	[hbm4b:s2+s8] =	stream.strided.scatter [tilespmem:s7], [sflag:$0x4], $0xC000, s24, s8, $0x38;
	[tilespmem:$0x18100] =	vst v63  }
0x124: {  	_ =	swait.ge [sflag:s31], $0xC000  }
0x125: {  	[sflag:s31] =	ssyncset.done $0x0  }
0x126: {  	[sflag:s31] =	ssyncadd.s32 $0xFFFF4000  }
0x127: {  	v2 =	vld.msk [tilespmem:s0+$0x0], $0x1;
	_ =	sdelay $0x4  }
0x128: {  	v3 =	vshrl.u32 v2, $0x3  }
0x129: {  	v3 =	vmul.u32 $0xC00, v3  }
0x12a: {  	v2 =	vand.u32 $0x7, v2  }
0x12b: {  	v2 =	vor.u32 v2, v3  }
0x12c: {  	v2 =	vperm.xlane v2, v0;
	_ =	sdelay $0x1  }
0x12d: {  	v2 =	vadd.s32 v1, v2;
	_ =	sdelay $0x3  }
0x12e: {  	s3 =	simm.s32 $0x100;
	s2 =	rddreg [dreg:$0x1]  }
0x12f: {  	[tilespmem:s3], [sflag:$0x1] =	stream.indirect_vreg.gather [hbm4b:s2+s4], $0x80, v2, vm0, $0xb8;
	[tilespmem:$0x18100] =	vst v63  }
0x130: {  	s5 =	simm.s32 $0x900  }
0x131: {  	[tilespmem:s5], [sflag:$0x1] =	stream.indirect_vreg.gather [hbm4b:s22+s4], $0x80, v2, vm0, $0xb8;
	[tilespmem:$0x18100] =	vst v63  }
0x132: {  	s6 =	simm.s32 $0x1100  }
0x133: {  	[tilespmem:s6], [sflag:$0x1] =	stream.indirect_vreg.gather [hbm4b:s23+s4], $0x80, v2, vm0, $0xb8;
	[tilespmem:$0x18100] =	vst v63  }
0x134: {  	s7 =	simm.s32 $0x1900  }
0x135: {  	[tilespmem:s7], [sflag:$0x1] =	stream.indirect_vreg.gather [hbm4b:s21+s4], $0x80, v2, vm0, $0xb8;
	[tilespmem:$0x18100] =	vst v63  }
0x136: {  	s8 =	simm.s32 $0x2100  }
0x137: {  	[tilespmem:s8], [sflag:$0x1] =	stream.indirect_vreg.gather [hbm4b:s9+s4], $0x80, v2, vm0, $0xb8;
	[tilespmem:$0x18100] =	vst v63  }
0x138: {  	s9 =	simm.s32 $0x2900  }
0x139: {  	[tilespmem:s9], [sflag:$0x1] =	stream.indirect_vreg.gather [hbm4b:s10+s4], $0x80, v2, vm0, $0xb8;
	[tilespmem:$0x18100] =	vst v63  }
0x13a: {  	s10 =	simm.s32 $0x3100  }
0x13b: {  	[tilespmem:s10], [sflag:$0x1] =	stream.indirect_vreg.gather [hbm4b:s11+s4], $0x80, v2, vm0, $0xb8;
	[tilespmem:$0x18100] =	vst v63  }
0x13c: {  	s11 =	simm.s32 $0x3900  }
0x13d: {  	[tilespmem:s11], [sflag:$0x1] =	stream.indirect_vreg.gather [hbm4b:s12+s4], $0x80, v2, vm0, $0xb8;
	[tilespmem:$0x18100] =	vst v63  }
0x13e: {  	s12 =	simm.s32 $0x4100  }
0x13f: {  	[tilespmem:s12], [sflag:$0x1] =	stream.indirect_vreg.gather [hbm4b:s13+s4], $0x80, v2, vm0, $0xb8;
	[tilespmem:$0x18100] =	vst v63  }
0x140: {  	s13 =	simm.s32 $0x4900  }
0x141: {  	[tilespmem:s13], [sflag:$0x1] =	stream.indirect_vreg.gather [hbm4b:s14+s4], $0x80, v2, vm0, $0xb8;
	[tilespmem:$0x18100] =	vst v63  }
0x142: {  	s14 =	simm.s32 $0x5100  }
0x143: {  	[tilespmem:s14], [sflag:$0x1] =	stream.indirect_vreg.gather [hbm4b:s15+s4], $0x80, v2, vm0, $0xb8;
	[tilespmem:$0x18100] =	vst v63  }
0x144: {  	s15 =	simm.s32 $0x5900  }
0x145: {  	[tilespmem:s15], [sflag:$0x1] =	stream.indirect_vreg.gather [hbm4b:s16+s4], $0x80, v2, vm0, $0xb8;
	[tilespmem:$0x18100] =	vst v63  }
0x146: {  	s16 =	simm.s32 $0x6100  }
0x147: {  	[tilespmem:s16], [sflag:$0x1] =	stream.indirect_vreg.gather [hbm4b:s17+s4], $0x80, v2, vm0, $0xb8;
	[tilespmem:$0x18100] =	vst v63  }
0x148: {  	s17 =	simm.s32 $0x6900  }
0x149: {  	[tilespmem:s17], [sflag:$0x1] =	stream.indirect_vreg.gather [hbm4b:s18+s4], $0x80, v2, vm0, $0xb8;
	[tilespmem:$0x18100] =	vst v63  }
0x14a: {  	s21 =	simm.s32 $0x7100  }
0x14b: {  	[tilespmem:s21], [sflag:$0x1] =	stream.indirect_vreg.gather [hbm4b:s19+s4], $0x80, v2, vm0, $0xb8;
	[tilespmem:$0x18100] =	vst v63  }
0x14c: {  	s31 =	sld [smem:$0x7FC];
	s22 =	simm.s32 $0x7900  }
0x14d: {  	[tilespmem:s22], [sflag:$0x1] =	stream.indirect_vreg.gather [hbm4b:s20+s4], $0x80, v2, vm0, $0xb8;
	[tilespmem:$0x18100] =	vst v63  }
0x14e: {  	s23 =	simm.s32 $0x8100  }
0x14f: {  	[tilespmem:s23], [sflag:$0x1] =	stream.indirect_vreg.gather [hbm4b:s25+s4], $0x80, v2, vm0, $0xb8;
	[tilespmem:$0x18100] =	vst v63  }
0x150: {  	s24 =	simm.s32 $0x8900;
	s21 =	sadd.s32 $0x2, s31  }
0x151: {  	[tilespmem:s24], [sflag:$0x1] =	stream.indirect_vreg.gather [hbm4b:s26+s4], $0x80, v2, vm0, $0xb8;
	[tilespmem:$0x18100] =	vst v63  }
0x152: {  	s3 =	simm.s32 $0x380;
	s6 =	sshrl.u32 s21, $0x3;
	s25 =	simm.s32 $0x9100  }
0x153: {  	[tilespmem:s25], [sflag:$0x1] =	stream.indirect_vreg.gather [hbm4b:s28+s4], $0x80, v2, vm0, $0xb8;
	[tilespmem:$0x18100] =	vst v63  }
0x154: {  	s23 =	simm.s32 $0x200;
	s26 =	simm.s32 $0x9900;
	s28 =	simm.s32 $0x280  }
0x155: {  	[tilespmem:s26], [sflag:$0x1] =	stream.indirect_vreg.gather [hbm4b:s29+s4], $0x80, v2, vm0, $0xb8;
	[tilespmem:$0x18100] =	vst v63  }
0x156: {  	s25 =	simm.s32 $0x30;
	s2 =	sand.u32 $0x380, s28;
	s29 =	simm.s32 $0xA100  }
0x157: {  	[tilespmem:s29], [sflag:$0x1] =	stream.indirect_vreg.gather [hbm4b:s30+s4], $0x80, v2, vm0, $0xb8;
	[tilespmem:$0x18100] =	vst v63  }
.LBB2_2:
0x158: {  	s1 =	rddreg [dreg:$0x18]  }
0x159: {  	s0 =	simm.s32 $0xA900;
	s20 =	smov.u32 s3;
	s5 =	rddreg [dreg:$0x19]  }
0x15a: {  	[tilespmem:s0], [sflag:$0x1] =	stream.indirect_vreg.gather [hbm4b:s1+s4], $0x80, v2, vm0, $0xb8;
	[tilespmem:$0x18100] =	vst v63  }
0x15b: {  	s24 =	sadd.s32 $0x100, s3;
	[dreg:$0x1b] =	wrdreg s20  }
0x15c: {  	s22 =	simm.s32 $0xB100;
	[dreg:$0x1c] =	wrdreg s24  }
0x15d: {  	[tilespmem:s22], [sflag:$0x1] =	stream.indirect_vreg.gather [hbm4b:s5+s4], $0x80, v2, vm0, $0xb8;
	[tilespmem:$0x18100] =	vst v63  }
0x15e: {  	s26 =	simm.s32 $0xB900;
	s28 =	simm.s32 $0x1;
	s22 =	rddreg [dreg:$0x1a]  }
0x15f: {  	[tilespmem:s26], [sflag:$0x1] =	stream.indirect_vreg.gather [hbm4b:s22+s4], $0x80, v2, vm0, $0xb8;
	[tilespmem:$0x18100] =	vst v63  }
0x160: {  	s6 =	smul.u32 $0x60000, s6;
	s7 =	sand.u32 $0x300, s23;
	_ =	swait.ge [sflag:s28], $0xC000  }
0x161: {  	s23 =	sadd.s32 $0xFFFFFF80, s3;
	p0 =	sne.s32 s3, $0xE80;
	[sflag:s28] =	ssyncset.done $0x0  }
0x162: {  	s30 =	simm.s32 $0x100;
	s7 =	sor.u32 s7, s6;
	[sflag:s28] =	ssyncadd.s32 $0xFFFF4000  }
0x163: {  	s2 =	sor.u32 s2, s6;
	s29 =	sshrl.u32 s7, $0x3;
	s6 =	rddreg [dreg:$0x2]  }
0x164: {  	s8 =	simm.s32 $0x80;
	s31 =	simm.s32 $0x400;
	s3 =	sadd.s32 s6, s29  }
0x165: {  	[hbm4b:s3+s8] =	stream.strided.scatter [tilespmem:s30], [sflag:$0x3], $0xC000, s31, s8, $0x38;
	[tilespmem:$0x18100] =	vst v63  }
0x166: {  	s8 =	simm.s32 $0x4  }
0x167: {  	_ =	swait.ge [sflag:s8], $0xC000  }
0x168: {  	[sflag:s8] =	ssyncset.done $0x0  }
0x169: {  	[sflag:s8] =	ssyncadd.s32 $0xFFFF4000  }
0x16a: {  	v2 =	vld.msk [tilespmem:s25+$0xFFFFFFF8], $0x1;
	_ =	sdelay $0x4  }
0x16b: {  	v3 =	vshrl.u32 v2, $0x3  }
0x16c: {  	v3 =	vmul.u32 $0xC00, v3  }
0x16d: {  	v2 =	vand.u32 $0x7, v2  }
0x16e: {  	v2 =	vor.u32 v2, v3  }
0x16f: {  	v2 =	vperm.xlane v2, v0;
	_ =	sdelay $0x1  }
0x170: {  	v2 =	vadd.s32 v1, v2;
	_ =	sdelay $0x3  }
0x171: {  	s3 =	simm.s32 $0xC100;
	s0 =	rddreg [dreg:$0x1]  }
0x172: {  	[tilespmem:s3], [sflag:$0x2] =	stream.indirect_vreg.gather [hbm4b:s0+s4], $0x80, v2, vm0, $0xb8;
	[tilespmem:$0x18100] =	vst v63  }
0x173: {  	s9 =	simm.s32 $0xC900;
	s7 =	rddreg [dreg:$0x4]  }
0x174: {  	[tilespmem:s9], [sflag:$0x2] =	stream.indirect_vreg.gather [hbm4b:s7+s4], $0x80, v2, vm0, $0xb8;
	[tilespmem:$0x18100] =	vst v63  }
0x175: {  	s10 =	simm.s32 $0xD100;
	s8 =	rddreg [dreg:$0x5]  }
0x176: {  	[tilespmem:s10], [sflag:$0x2] =	stream.indirect_vreg.gather [hbm4b:s8+s4], $0x80, v2, vm0, $0xb8;
	[tilespmem:$0x18100] =	vst v63  }
0x177: {  	s11 =	simm.s32 $0xD900;
	s9 =	rddreg [dreg:$0x6]  }
0x178: {  	[tilespmem:s11], [sflag:$0x2] =	stream.indirect_vreg.gather [hbm4b:s9+s4], $0x80, v2, vm0, $0xb8;
	[tilespmem:$0x18100] =	vst v63  }
0x179: {  	s12 =	simm.s32 $0xE100;
	s10 =	rddreg [dreg:$0x7]  }
0x17a: {  	[tilespmem:s12], [sflag:$0x2] =	stream.indirect_vreg.gather [hbm4b:s10+s4], $0x80, v2, vm0, $0xb8;
	[tilespmem:$0x18100] =	vst v63  }
0x17b: {  	s13 =	simm.s32 $0xE900;
	s11 =	rddreg [dreg:$0x8]  }
0x17c: {  	[tilespmem:s13], [sflag:$0x2] =	stream.indirect_vreg.gather [hbm4b:s11+s4], $0x80, v2, vm0, $0xb8;
	[tilespmem:$0x18100] =	vst v63  }
0x17d: {  	s14 =	simm.s32 $0xF100;
	s12 =	rddreg [dreg:$0x9]  }
0x17e: {  	[tilespmem:s14], [sflag:$0x2] =	stream.indirect_vreg.gather [hbm4b:s12+s4], $0x80, v2, vm0, $0xb8;
	[tilespmem:$0x18100] =	vst v63  }
0x17f: {  	s15 =	simm.s32 $0xF900;
	s13 =	rddreg [dreg:$0xa]  }
0x180: {  	[tilespmem:s15], [sflag:$0x2] =	stream.indirect_vreg.gather [hbm4b:s13+s4], $0x80, v2, vm0, $0xb8;
	[tilespmem:$0x18100] =	vst v63  }
0x181: {  	s16 =	simm.s32 $0x10100;
	s14 =	rddreg [dreg:$0xb]  }
0x182: {  	[tilespmem:s16], [sflag:$0x2] =	stream.indirect_vreg.gather [hbm4b:s14+s4], $0x80, v2, vm0, $0xb8;
	[tilespmem:$0x18100] =	vst v63  }
0x183: {  	s17 =	simm.s32 $0x10900;
	s15 =	rddreg [dreg:$0xc]  }
0x184: {  	[tilespmem:s17], [sflag:$0x2] =	stream.indirect_vreg.gather [hbm4b:s15+s4], $0x80, v2, vm0, $0xb8;
	[tilespmem:$0x18100] =	vst v63  }
0x185: {  	s18 =	simm.s32 $0x11100;
	s16 =	rddreg [dreg:$0xd]  }
0x186: {  	[tilespmem:s18], [sflag:$0x2] =	stream.indirect_vreg.gather [hbm4b:s16+s4], $0x80, v2, vm0, $0xb8;
	[tilespmem:$0x18100] =	vst v63  }
0x187: {  	s19 =	simm.s32 $0x11900;
	s17 =	rddreg [dreg:$0xe]  }
0x188: {  	[tilespmem:s19], [sflag:$0x2] =	stream.indirect_vreg.gather [hbm4b:s17+s4], $0x80, v2, vm0, $0xb8;
	[tilespmem:$0x18100] =	vst v63  }
0x189: {  	s20 =	simm.s32 $0x12100;
	s18 =	rddreg [dreg:$0xf]  }
0x18a: {  	[tilespmem:s20], [sflag:$0x2] =	stream.indirect_vreg.gather [hbm4b:s18+s4], $0x80, v2, vm0, $0xb8;
	[tilespmem:$0x18100] =	vst v63  }
0x18b: {  	s24 =	simm.s32 $0x12900;
	s19 =	rddreg [dreg:$0x10]  }
0x18c: {  	[tilespmem:s24], [sflag:$0x2] =	stream.indirect_vreg.gather [hbm4b:s19+s4], $0x80, v2, vm0, $0xb8;
	[tilespmem:$0x18100] =	vst v63  }
0x18d: {  	s26 =	simm.s32 $0x13100;
	s20 =	rddreg [dreg:$0x11]  }
0x18e: {  	[tilespmem:s26], [sflag:$0x2] =	stream.indirect_vreg.gather [hbm4b:s20+s4], $0x80, v2, vm0, $0xb8;
	[tilespmem:$0x18100] =	vst v63  }
0x18f: {  	s28 =	simm.s32 $0x13900;
	s26 =	rddreg [dreg:$0x12]  }
0x190: {  	[tilespmem:s28], [sflag:$0x2] =	stream.indirect_vreg.gather [hbm4b:s26+s4], $0x80, v2, vm0, $0xb8;
	[tilespmem:$0x18100] =	vst v63  }
0x191: {  	s29 =	simm.s32 $0x14100;
	s28 =	rddreg [dreg:$0x13]  }
0x192: {  	[tilespmem:s29], [sflag:$0x2] =	stream.indirect_vreg.gather [hbm4b:s28+s4], $0x80, v2, vm0, $0xb8;
	[tilespmem:$0x18100] =	vst v63  }
0x193: {  	s30 =	simm.s32 $0x14900;
	s29 =	rddreg [dreg:$0x14]  }
0x194: {  	[tilespmem:s30], [sflag:$0x2] =	stream.indirect_vreg.gather [hbm4b:s29+s4], $0x80, v2, vm0, $0xb8;
	[tilespmem:$0x18100] =	vst v63  }
0x195: {  	s31 =	simm.s32 $0x15100;
	s30 =	rddreg [dreg:$0x15]  }
0x196: {  	[tilespmem:s31], [sflag:$0x2] =	stream.indirect_vreg.gather [hbm4b:s30+s4], $0x80, v2, vm0, $0xb8;
	[tilespmem:$0x18100] =	vst v63  }
0x197: {  	s24 =	simm.s32 $0x15900;
	s31 =	rddreg [dreg:$0x16]  }
0x198: {  	[tilespmem:s24], [sflag:$0x2] =	stream.indirect_vreg.gather [hbm4b:s31+s4], $0x80, v2, vm0, $0xb8;
	[tilespmem:$0x18100] =	vst v63  }
0x199: {  	s0 =	rddreg [dreg:$0x17];
	s24 =	simm.s32 $0x16100  }
0x19a: {  	[tilespmem:s24], [sflag:$0x2] =	stream.indirect_vreg.gather [hbm4b:s0+s4], $0x80, v2, vm0, $0xb8;
	[tilespmem:$0x18100] =	vst v63  }
0x19b: {  	s24 =	simm.s32 $0x16900  }
0x19c: {  	[tilespmem:s24], [sflag:$0x2] =	stream.indirect_vreg.gather [hbm4b:s1+s4], $0x80, v2, vm0, $0xb8;
	[tilespmem:$0x18100] =	vst v63  }
0x19d: {  	s2 =	sshrl.u32 s2, $0x3;
	s24 =	simm.s32 $0x17100  }
0x19e: {  	[tilespmem:s24], [sflag:$0x2] =	stream.indirect_vreg.gather [hbm4b:s5+s4], $0x80, v2, vm0, $0xb8;
	[tilespmem:$0x18100] =	vst v63  }
0x19f: {  	s2 =	sadd.s32 s6, s2;
	s6 =	simm.s32 $0x2;
	s5 =	simm.s32 $0x17900  }
0x1a0: {  	[tilespmem:s5], [sflag:$0x2] =	stream.indirect_vreg.gather [hbm4b:s22+s4], $0x80, v2, vm0, $0xb8;
	[tilespmem:$0x18100] =	vst v63  }
0x1a1: {  	_ =	swait.ge [sflag:s6], $0xC000  }
0x1a2: {  	[sflag:s6] =	ssyncset.done $0x0  }
0x1a3: {  	s24 =	simm.s32 $0x80;
	s22 =	simm.s32 $0x400;
	[sflag:s6] =	ssyncadd.s32 $0xFFFF4000  }
0x1a4: {  	[hbm4b:s2+s24] =	stream.strided.scatter [tilespmem:s3], [sflag:$0x4], $0xC000, s22, s24, $0x38;
	[tilespmem:$0x18100] =	vst v63  }
0x1a5: {  	s2 =	simm.s32 $0x3  }
0x1a6: {  	_ =	swait.ge [sflag:s2], $0xC000  }
0x1a7: {  	[sflag:s2] =	ssyncset.done $0x0  }
0x1a8: {  	[sflag:s2] =	ssyncadd.s32 $0xFFFF4000  }
0x1a9: {  	v2 =	vld.msk [tilespmem:s25+$0x0], $0x1;
	_ =	sdelay $0x4  }
0x1aa: {  	v3 =	vshrl.u32 v2, $0x3  }
0x1ab: {  	v3 =	vmul.u32 $0xC00, v3  }
0x1ac: {  	v2 =	vand.u32 $0x7, v2  }
0x1ad: {  	v2 =	vor.u32 v2, v3  }
0x1ae: {  	v2 =	vperm.xlane v2, v0;
	_ =	sdelay $0x1  }
0x1af: {  	v2 =	vadd.s32 v1, v2;
	_ =	sdelay $0x3  }
0x1b0: {  	s3 =	simm.s32 $0x100;
	s5 =	rddreg [dreg:$0x1]  }
0x1b1: {  	[tilespmem:s3], [sflag:$0x1] =	stream.indirect_vreg.gather [hbm4b:s5+s4], $0x80, v2, vm0, $0xb8;
	[tilespmem:$0x18100] =	vst v63  }
0x1b2: {  	s6 =	simm.s32 $0x900  }
0x1b3: {  	[tilespmem:s6], [sflag:$0x1] =	stream.indirect_vreg.gather [hbm4b:s7+s4], $0x80, v2, vm0, $0xb8;
	[tilespmem:$0x18100] =	vst v63  }
0x1b4: {  	s7 =	simm.s32 $0x1100  }
0x1b5: {  	[tilespmem:s7], [sflag:$0x1] =	stream.indirect_vreg.gather [hbm4b:s8+s4], $0x80, v2, vm0, $0xb8;
	[tilespmem:$0x18100] =	vst v63  }
0x1b6: {  	s8 =	simm.s32 $0x1900  }
0x1b7: {  	[tilespmem:s8], [sflag:$0x1] =	stream.indirect_vreg.gather [hbm4b:s9+s4], $0x80, v2, vm0, $0xb8;
	[tilespmem:$0x18100] =	vst v63  }
0x1b8: {  	s9 =	simm.s32 $0x2100  }
0x1b9: {  	[tilespmem:s9], [sflag:$0x1] =	stream.indirect_vreg.gather [hbm4b:s10+s4], $0x80, v2, vm0, $0xb8;
	[tilespmem:$0x18100] =	vst v63  }
0x1ba: {  	s10 =	simm.s32 $0x2900  }
0x1bb: {  	[tilespmem:s10], [sflag:$0x1] =	stream.indirect_vreg.gather [hbm4b:s11+s4], $0x80, v2, vm0, $0xb8;
	[tilespmem:$0x18100] =	vst v63  }
0x1bc: {  	s11 =	simm.s32 $0x3100  }
0x1bd: {  	[tilespmem:s11], [sflag:$0x1] =	stream.indirect_vreg.gather [hbm4b:s12+s4], $0x80, v2, vm0, $0xb8;
	[tilespmem:$0x18100] =	vst v63  }
0x1be: {  	s12 =	simm.s32 $0x3900  }
0x1bf: {  	[tilespmem:s12], [sflag:$0x1] =	stream.indirect_vreg.gather [hbm4b:s13+s4], $0x80, v2, vm0, $0xb8;
	[tilespmem:$0x18100] =	vst v63  }
0x1c0: {  	s13 =	simm.s32 $0x4100  }
0x1c1: {  	[tilespmem:s13], [sflag:$0x1] =	stream.indirect_vreg.gather [hbm4b:s14+s4], $0x80, v2, vm0, $0xb8;
	[tilespmem:$0x18100] =	vst v63  }
0x1c2: {  	s14 =	simm.s32 $0x4900  }
0x1c3: {  	[tilespmem:s14], [sflag:$0x1] =	stream.indirect_vreg.gather [hbm4b:s15+s4], $0x80, v2, vm0, $0xb8;
	[tilespmem:$0x18100] =	vst v63  }
0x1c4: {  	s15 =	simm.s32 $0x5100  }
0x1c5: {  	[tilespmem:s15], [sflag:$0x1] =	stream.indirect_vreg.gather [hbm4b:s16+s4], $0x80, v2, vm0, $0xb8;
	[tilespmem:$0x18100] =	vst v63  }
0x1c6: {  	s16 =	simm.s32 $0x5900  }
0x1c7: {  	[tilespmem:s16], [sflag:$0x1] =	stream.indirect_vreg.gather [hbm4b:s17+s4], $0x80, v2, vm0, $0xb8;
	[tilespmem:$0x18100] =	vst v63  }
0x1c8: {  	s17 =	simm.s32 $0x6100  }
0x1c9: {  	[tilespmem:s17], [sflag:$0x1] =	stream.indirect_vreg.gather [hbm4b:s18+s4], $0x80, v2, vm0, $0xb8;
	[tilespmem:$0x18100] =	vst v63  }
0x1ca: {  	s18 =	simm.s32 $0x6900  }
0x1cb: {  	[tilespmem:s18], [sflag:$0x1] =	stream.indirect_vreg.gather [hbm4b:s19+s4], $0x80, v2, vm0, $0xb8;
	[tilespmem:$0x18100] =	vst v63  }
0x1cc: {  	s19 =	simm.s32 $0x7100  }
0x1cd: {  	[tilespmem:s19], [sflag:$0x1] =	stream.indirect_vreg.gather [hbm4b:s20+s4], $0x80, v2, vm0, $0xb8;
	[tilespmem:$0x18100] =	vst v63  }
0x1ce: {  	s22 =	simm.s32 $0x7900  }
0x1cf: {  	[tilespmem:s22], [sflag:$0x1] =	stream.indirect_vreg.gather [hbm4b:s26+s4], $0x80, v2, vm0, $0xb8;
	[tilespmem:$0x18100] =	vst v63  }
0x1d0: {  	s24 =	simm.s32 $0x8100  }
0x1d1: {  	[tilespmem:s24], [sflag:$0x1] =	stream.indirect_vreg.gather [hbm4b:s28+s4], $0x80, v2, vm0, $0xb8;
	[tilespmem:$0x18100] =	vst v63  }
0x1d2: {  	s26 =	simm.s32 $0x8900  }
0x1d3: {  	[tilespmem:s26], [sflag:$0x1] =	stream.indirect_vreg.gather [hbm4b:s29+s4], $0x80, v2, vm0, $0xb8;
	[tilespmem:$0x18100] =	vst v63  }
0x1d4: {  	s28 =	simm.s32 $0x9100  }
0x1d5: {  	[tilespmem:s28], [sflag:$0x1] =	stream.indirect_vreg.gather [hbm4b:s30+s4], $0x80, v2, vm0, $0xb8;
	[tilespmem:$0x18100] =	vst v63  }
.Ltmp0:
0x1d6: {  	s3 =	rddreg [dreg:$0x1c];
	s29 =	simm.s32 $0x9900;
	(pc) =	sbr.rel @p0 .LBB2_2-.Ltmp0, $4  }
0x1d7: {  	[tilespmem:s29], [sflag:$0x1] =	stream.indirect_vreg.gather [hbm4b:s31+s4], $0x80, v2, vm0, $0xb8;
	[tilespmem:$0x18100] =	vst v63  }
0x1d8: {  	s21 =	sadd.s32 $0x2, s21;
	s25 =	sadd.s32 $0x10, s25;
	s31 =	rddreg [dreg:$0x1b]  }
0x1d9: {  	s6 =	sshrl.u32 s21, $0x3;
	s30 =	simm.s32 $0xA100;
	s2 =	sand.u32 $0x380, s31  }
0x1da: {  	[tilespmem:s30], [sflag:$0x1] =	stream.indirect_vreg.gather [hbm4b:s0+s4], $0x80, v2, vm0, $0xb8;
	[tilespmem:$0x18100] =	vst v63  }
0x1db: {  	_ =	sdelay $0x2  }
0x1dc: {  	s29 =	rddreg [dreg:$0x18];
	s0 =	simm.s32 $0xA900  }
0x1dd: {  	[tilespmem:s0], [sflag:$0x1] =	stream.indirect_vreg.gather [hbm4b:s29+s4], $0x80, v2, vm0, $0xb8;
	[tilespmem:$0x18100] =	vst v63  }
0x1de: {  	s1 =	rddreg [dreg:$0x19];
	s24 =	simm.s32 $0xB100  }
0x1df: {  	[tilespmem:s24], [sflag:$0x1] =	stream.indirect_vreg.gather [hbm4b:s1+s4], $0x80, v2, vm0, $0xb8;
	[tilespmem:$0x18100] =	vst v63  }
0x1e0: {  	s5 =	rddreg [dreg:$0x1a];
	s28 =	simm.s32 $0xB900;
	s30 =	simm.s32 $0x1  }
0x1e1: {  	[tilespmem:s28], [sflag:$0x1] =	stream.indirect_vreg.gather [hbm4b:s5+s4], $0x80, v2, vm0, $0xb8;
	[tilespmem:$0x18100] =	vst v63  }
0x1e2: {  	s3 =	smul.u32 $0x60000, s6;
	_ =	swait.ge [sflag:s30], $0xC000  }
0x1e3: {  	s26 =	sand.u32 $0x300, s23;
	[sflag:s30] =	ssyncset.done $0x0  }
0x1e4: {  	s9 =	simm.s32 $0x100;
	s6 =	sor.u32 s26, s3;
	[sflag:s30] =	ssyncadd.s32 $0xFFFF4000  }
0x1e5: {  	s31 =	simm.s32 $0x80;
	s6 =	sshrl.u32 s6, $0x3;
	s7 =	rddreg [dreg:$0x2]  }
0x1e6: {  	s8 =	simm.s32 $0x400;
	s30 =	simm.s32 $0x4;
	s6 =	sadd.s32 s7, s6  }
0x1e7: {  	[hbm4b:s6+s31] =	stream.strided.scatter [tilespmem:s9], [sflag:$0x3], $0xC000, s8, s31, $0x38;
	[tilespmem:$0x18100] =	vst v63  }
0x1e8: {  	_ =	swait.ge [sflag:s30], $0xC000  }
0x1e9: {  	[sflag:s30] =	ssyncset.done $0x0  }
0x1ea: {  	[sflag:s30] =	ssyncadd.s32 $0xFFFF4000  }
0x1eb: {  	v2 =	vld.msk [tilespmem:s25+$0xFFFFFFF8], $0x1;
	_ =	sdelay $0x4  }
0x1ec: {  	v3 =	vshrl.u32 v2, $0x3  }
0x1ed: {  	v3 =	vmul.u32 $0xC00, v3  }
0x1ee: {  	v2 =	vand.u32 $0x7, v2  }
0x1ef: {  	v2 =	vor.u32 v2, v3  }
0x1f0: {  	v2 =	vperm.xlane v2, v0;
	_ =	sdelay $0x1  }
0x1f1: {  	v2 =	vadd.s32 v1, v2;
	_ =	sdelay $0x3  }
0x1f2: {  	s8 =	simm.s32 $0xC100;
	s0 =	rddreg [dreg:$0x1]  }
0x1f3: {  	[tilespmem:s8], [sflag:$0x2] =	stream.indirect_vreg.gather [hbm4b:s0+s4], $0x80, v2, vm0, $0xb8;
	[tilespmem:$0x18100] =	vst v63  }
0x1f4: {  	s9 =	simm.s32 $0xC900;
	s21 =	rddreg [dreg:$0x4]  }
0x1f5: {  	[tilespmem:s9], [sflag:$0x2] =	stream.indirect_vreg.gather [hbm4b:s21+s4], $0x80, v2, vm0, $0xb8;
	[tilespmem:$0x18100] =	vst v63  }
0x1f6: {  	s10 =	simm.s32 $0xD100;
	s8 =	rddreg [dreg:$0x5]  }
0x1f7: {  	[tilespmem:s10], [sflag:$0x2] =	stream.indirect_vreg.gather [hbm4b:s8+s4], $0x80, v2, vm0, $0xb8;
	[tilespmem:$0x18100] =	vst v63  }
0x1f8: {  	s11 =	simm.s32 $0xD900;
	s9 =	rddreg [dreg:$0x6]  }
0x1f9: {  	[tilespmem:s11], [sflag:$0x2] =	stream.indirect_vreg.gather [hbm4b:s9+s4], $0x80, v2, vm0, $0xb8;
	[tilespmem:$0x18100] =	vst v63  }
0x1fa: {  	s12 =	simm.s32 $0xE100;
	s10 =	rddreg [dreg:$0x7]  }
0x1fb: {  	[tilespmem:s12], [sflag:$0x2] =	stream.indirect_vreg.gather [hbm4b:s10+s4], $0x80, v2, vm0, $0xb8;
	[tilespmem:$0x18100] =	vst v63  }
0x1fc: {  	s13 =	simm.s32 $0xE900;
	s11 =	rddreg [dreg:$0x8]  }
0x1fd: {  	[tilespmem:s13], [sflag:$0x2] =	stream.indirect_vreg.gather [hbm4b:s11+s4], $0x80, v2, vm0, $0xb8;
	[tilespmem:$0x18100] =	vst v63  }
0x1fe: {  	s14 =	simm.s32 $0xF100;
	s12 =	rddreg [dreg:$0x9]  }
0x1ff: {  	[tilespmem:s14], [sflag:$0x2] =	stream.indirect_vreg.gather [hbm4b:s12+s4], $0x80, v2, vm0, $0xb8;
	[tilespmem:$0x18100] =	vst v63  }
0x200: {  	s15 =	simm.s32 $0xF900;
	s13 =	rddreg [dreg:$0xa]  }
0x201: {  	[tilespmem:s15], [sflag:$0x2] =	stream.indirect_vreg.gather [hbm4b:s13+s4], $0x80, v2, vm0, $0xb8;
	[tilespmem:$0x18100] =	vst v63  }
0x202: {  	s16 =	simm.s32 $0x10100;
	s14 =	rddreg [dreg:$0xb]  }
0x203: {  	[tilespmem:s16], [sflag:$0x2] =	stream.indirect_vreg.gather [hbm4b:s14+s4], $0x80, v2, vm0, $0xb8;
	[tilespmem:$0x18100] =	vst v63  }
0x204: {  	s17 =	simm.s32 $0x10900;
	s15 =	rddreg [dreg:$0xc]  }
0x205: {  	[tilespmem:s17], [sflag:$0x2] =	stream.indirect_vreg.gather [hbm4b:s15+s4], $0x80, v2, vm0, $0xb8;
	[tilespmem:$0x18100] =	vst v63  }
0x206: {  	s18 =	simm.s32 $0x11100;
	s16 =	rddreg [dreg:$0xd]  }
0x207: {  	[tilespmem:s18], [sflag:$0x2] =	stream.indirect_vreg.gather [hbm4b:s16+s4], $0x80, v2, vm0, $0xb8;
	[tilespmem:$0x18100] =	vst v63  }
0x208: {  	s19 =	simm.s32 $0x11900;
	s17 =	rddreg [dreg:$0xe]  }
0x209: {  	[tilespmem:s19], [sflag:$0x2] =	stream.indirect_vreg.gather [hbm4b:s17+s4], $0x80, v2, vm0, $0xb8;
	[tilespmem:$0x18100] =	vst v63  }
0x20a: {  	s20 =	simm.s32 $0x12100;
	s18 =	rddreg [dreg:$0xf]  }
0x20b: {  	[tilespmem:s20], [sflag:$0x2] =	stream.indirect_vreg.gather [hbm4b:s18+s4], $0x80, v2, vm0, $0xb8;
	[tilespmem:$0x18100] =	vst v63  }
0x20c: {  	s22 =	simm.s32 $0x12900;
	s19 =	rddreg [dreg:$0x10]  }
0x20d: {  	[tilespmem:s22], [sflag:$0x2] =	stream.indirect_vreg.gather [hbm4b:s19+s4], $0x80, v2, vm0, $0xb8;
	[tilespmem:$0x18100] =	vst v63  }
0x20e: {  	s23 =	simm.s32 $0x13100;
	s20 =	rddreg [dreg:$0x11]  }
0x20f: {  	[tilespmem:s23], [sflag:$0x2] =	stream.indirect_vreg.gather [hbm4b:s20+s4], $0x80, v2, vm0, $0xb8;
	[tilespmem:$0x18100] =	vst v63  }
0x210: {  	s24 =	simm.s32 $0x13900;
	s22 =	rddreg [dreg:$0x12]  }
0x211: {  	[tilespmem:s24], [sflag:$0x2] =	stream.indirect_vreg.gather [hbm4b:s22+s4], $0x80, v2, vm0, $0xb8;
	[tilespmem:$0x18100] =	vst v63  }
0x212: {  	s26 =	simm.s32 $0x14100;
	s23 =	rddreg [dreg:$0x13]  }
0x213: {  	[tilespmem:s26], [sflag:$0x2] =	stream.indirect_vreg.gather [hbm4b:s23+s4], $0x80, v2, vm0, $0xb8;
	[tilespmem:$0x18100] =	vst v63  }
0x214: {  	s28 =	simm.s32 $0x14900;
	s24 =	rddreg [dreg:$0x14]  }
0x215: {  	[tilespmem:s28], [sflag:$0x2] =	stream.indirect_vreg.gather [hbm4b:s24+s4], $0x80, v2, vm0, $0xb8;
	[tilespmem:$0x18100] =	vst v63  }
0x216: {  	s31 =	simm.s32 $0x15100;
	s26 =	rddreg [dreg:$0x15]  }
0x217: {  	[tilespmem:s31], [sflag:$0x2] =	stream.indirect_vreg.gather [hbm4b:s26+s4], $0x80, v2, vm0, $0xb8;
	[tilespmem:$0x18100] =	vst v63  }
0x218: {  	s6 =	simm.s32 $0x15900;
	s28 =	rddreg [dreg:$0x16]  }
0x219: {  	[tilespmem:s6], [sflag:$0x2] =	stream.indirect_vreg.gather [hbm4b:s28+s4], $0x80, v2, vm0, $0xb8;
	[tilespmem:$0x18100] =	vst v63  }
0x21a: {  	s0 =	rddreg [dreg:$0x17];
	s31 =	simm.s32 $0x16100  }
0x21b: {  	[tilespmem:s31], [sflag:$0x2] =	stream.indirect_vreg.gather [hbm4b:s0+s4], $0x80, v2, vm0, $0xb8;
	[tilespmem:$0x18100] =	vst v63  }
0x21c: {  	s31 =	simm.s32 $0x16900  }
0x21d: {  	[tilespmem:s31], [sflag:$0x2] =	stream.indirect_vreg.gather [hbm4b:s29+s4], $0x80, v2, vm0, $0xb8;
	[tilespmem:$0x18100] =	vst v63  }
0x21e: {  	s31 =	simm.s32 $0x17100  }
0x21f: {  	[tilespmem:s31], [sflag:$0x2] =	stream.indirect_vreg.gather [hbm4b:s1+s4], $0x80, v2, vm0, $0xb8;
	[tilespmem:$0x18100] =	vst v63  }
0x220: {  	s2 =	sor.u32 s2, s3;
	s3 =	simm.s32 $0x2;
	s31 =	simm.s32 $0x17900  }
0x221: {  	[tilespmem:s31], [sflag:$0x2] =	stream.indirect_vreg.gather [hbm4b:s5+s4], $0x80, v2, vm0, $0xb8;
	[tilespmem:$0x18100] =	vst v63  }
0x222: {  	s2 =	sshrl.u32 s2, $0x3;
	_ =	swait.ge [sflag:s3], $0xC000  }
0x223: {  	s2 =	sadd.s32 s7, s2;
	s7 =	simm.s32 $0x400;
	[sflag:s3] =	ssyncset.done $0x0  }
0x224: {  	s6 =	simm.s32 $0x80;
	s31 =	simm.s32 $0xC100;
	[sflag:s3] =	ssyncadd.s32 $0xFFFF4000  }
0x225: {  	[hbm4b:s2+s6] =	stream.strided.scatter [tilespmem:s31], [sflag:$0x4], $0xC000, s7, s6, $0x38;
	[tilespmem:$0x18100] =	vst v63  }
0x226: {  	s7 =	simm.s32 $0x3  }
0x227: {  	_ =	swait.ge [sflag:s7], $0xC000  }
0x228: {  	[sflag:s7] =	ssyncset.done $0x0  }
0x229: {  	[sflag:s7] =	ssyncadd.s32 $0xFFFF4000  }
0x22a: {  	v2 =	vld.msk [tilespmem:s25+$0x0], $0x1;
	_ =	sdelay $0x4  }
0x22b: {  	v3 =	vshrl.u32 v2, $0x3  }
0x22c: {  	v3 =	vmul.u32 $0xC00, v3  }
0x22d: {  	v2 =	vand.u32 $0x7, v2  }
0x22e: {  	v2 =	vor.u32 v2, v3  }
0x22f: {  	v2 =	vperm.xlane v2, v0;
	_ =	sdelay $0x1  }
0x230: {  	v2 =	vadd.s32 v1, v2;
	_ =	sdelay $0x3  }
0x231: {  	s6 =	simm.s32 $0x100;
	s25 =	rddreg [dreg:$0x1]  }
0x232: {  	[tilespmem:s6], [sflag:$0x1] =	stream.indirect_vreg.gather [hbm4b:s25+s4], $0x80, v2, vm0, $0xb8;
	[tilespmem:$0x18100] =	vst v63  }
0x233: {  	s31 =	simm.s32 $0x900  }
0x234: {  	[tilespmem:s31], [sflag:$0x1] =	stream.indirect_vreg.gather [hbm4b:s21+s4], $0x80, v2, vm0, $0xb8;
	[tilespmem:$0x18100] =	vst v63  }
0x235: {  	s25 =	simm.s32 $0x1100  }
0x236: {  	[tilespmem:s25], [sflag:$0x1] =	stream.indirect_vreg.gather [hbm4b:s8+s4], $0x80, v2, vm0, $0xb8;
	[tilespmem:$0x18100] =	vst v63  }
0x237: {  	s31 =	simm.s32 $0x1900  }
0x238: {  	[tilespmem:s31], [sflag:$0x1] =	stream.indirect_vreg.gather [hbm4b:s9+s4], $0x80, v2, vm0, $0xb8;
	[tilespmem:$0x18100] =	vst v63  }
0x239: {  	s25 =	simm.s32 $0x2100  }
0x23a: {  	[tilespmem:s25], [sflag:$0x1] =	stream.indirect_vreg.gather [hbm4b:s10+s4], $0x80, v2, vm0, $0xb8;
	[tilespmem:$0x18100] =	vst v63  }
0x23b: {  	s31 =	simm.s32 $0x2900  }
0x23c: {  	[tilespmem:s31], [sflag:$0x1] =	stream.indirect_vreg.gather [hbm4b:s11+s4], $0x80, v2, vm0, $0xb8;
	[tilespmem:$0x18100] =	vst v63  }
0x23d: {  	s25 =	simm.s32 $0x3100  }
0x23e: {  	[tilespmem:s25], [sflag:$0x1] =	stream.indirect_vreg.gather [hbm4b:s12+s4], $0x80, v2, vm0, $0xb8;
	[tilespmem:$0x18100] =	vst v63  }
0x23f: {  	s31 =	simm.s32 $0x3900  }
0x240: {  	[tilespmem:s31], [sflag:$0x1] =	stream.indirect_vreg.gather [hbm4b:s13+s4], $0x80, v2, vm0, $0xb8;
	[tilespmem:$0x18100] =	vst v63  }
0x241: {  	s25 =	simm.s32 $0x4100  }
0x242: {  	[tilespmem:s25], [sflag:$0x1] =	stream.indirect_vreg.gather [hbm4b:s14+s4], $0x80, v2, vm0, $0xb8;
	[tilespmem:$0x18100] =	vst v63  }
0x243: {  	s31 =	simm.s32 $0x4900  }
0x244: {  	[tilespmem:s31], [sflag:$0x1] =	stream.indirect_vreg.gather [hbm4b:s15+s4], $0x80, v2, vm0, $0xb8;
	[tilespmem:$0x18100] =	vst v63  }
0x245: {  	s25 =	simm.s32 $0x5100  }
0x246: {  	[tilespmem:s25], [sflag:$0x1] =	stream.indirect_vreg.gather [hbm4b:s16+s4], $0x80, v2, vm0, $0xb8;
	[tilespmem:$0x18100] =	vst v63  }
0x247: {  	s31 =	simm.s32 $0x5900  }
0x248: {  	[tilespmem:s31], [sflag:$0x1] =	stream.indirect_vreg.gather [hbm4b:s17+s4], $0x80, v2, vm0, $0xb8;
	[tilespmem:$0x18100] =	vst v63  }
0x249: {  	s25 =	simm.s32 $0x6100  }
0x24a: {  	[tilespmem:s25], [sflag:$0x1] =	stream.indirect_vreg.gather [hbm4b:s18+s4], $0x80, v2, vm0, $0xb8;
	[tilespmem:$0x18100] =	vst v63  }
0x24b: {  	s31 =	simm.s32 $0x6900  }
0x24c: {  	[tilespmem:s31], [sflag:$0x1] =	stream.indirect_vreg.gather [hbm4b:s19+s4], $0x80, v2, vm0, $0xb8;
	[tilespmem:$0x18100] =	vst v63  }
0x24d: {  	s25 =	simm.s32 $0x7100  }
0x24e: {  	[tilespmem:s25], [sflag:$0x1] =	stream.indirect_vreg.gather [hbm4b:s20+s4], $0x80, v2, vm0, $0xb8;
	[tilespmem:$0x18100] =	vst v63  }
0x24f: {  	s31 =	simm.s32 $0x7900  }
0x250: {  	[tilespmem:s31], [sflag:$0x1] =	stream.indirect_vreg.gather [hbm4b:s22+s4], $0x80, v2, vm0, $0xb8;
	[tilespmem:$0x18100] =	vst v63  }
0x251: {  	s25 =	simm.s32 $0x8100  }
0x252: {  	[tilespmem:s25], [sflag:$0x1] =	stream.indirect_vreg.gather [hbm4b:s23+s4], $0x80, v2, vm0, $0xb8;
	[tilespmem:$0x18100] =	vst v63  }
0x253: {  	s31 =	simm.s32 $0x8900  }
0x254: {  	[tilespmem:s31], [sflag:$0x1] =	stream.indirect_vreg.gather [hbm4b:s24+s4], $0x80, v2, vm0, $0xb8;
	[tilespmem:$0x18100] =	vst v63  }
0x255: {  	s25 =	simm.s32 $0x9100  }
0x256: {  	[tilespmem:s25], [sflag:$0x1] =	stream.indirect_vreg.gather [hbm4b:s26+s4], $0x80, v2, vm0, $0xb8;
	[tilespmem:$0x18100] =	vst v63  }
0x257: {  	s31 =	simm.s32 $0x9900  }
0x258: {  	[tilespmem:s31], [sflag:$0x1] =	stream.indirect_vreg.gather [hbm4b:s28+s4], $0x80, v2, vm0, $0xb8;
	[tilespmem:$0x18100] =	vst v63  }
0x259: {  	s25 =	simm.s32 $0xA100  }
0x25a: {  	[tilespmem:s25], [sflag:$0x1] =	stream.indirect_vreg.gather [hbm4b:s0+s4], $0x80, v2, vm0, $0xb8;
	[tilespmem:$0x18100] =	vst v63  }
0x25b: {  	s31 =	simm.s32 $0xA900  }
0x25c: {  	[tilespmem:s31], [sflag:$0x1] =	stream.indirect_vreg.gather [hbm4b:s29+s4], $0x80, v2, vm0, $0xb8;
	[tilespmem:$0x18100] =	vst v63  }
0x25d: {  	s25 =	simm.s32 $0xB100  }
0x25e: {  	[tilespmem:s25], [sflag:$0x1] =	stream.indirect_vreg.gather [hbm4b:s1+s4], $0x80, v2, vm0, $0xb8;
	[tilespmem:$0x18100] =	vst v63  }
0x25f: {  	s31 =	simm.s32 $0xB900;
	s25 =	simm.s32 $0x1  }
0x260: {  	[tilespmem:s31], [sflag:$0x1] =	stream.indirect_vreg.gather [hbm4b:s5+s4], $0x80, v2, vm0, $0xb8;
	[tilespmem:$0x18100] =	vst v63  }
0x261: {  	_ =	swait.ge [sflag:s25], $0xC000  }
0x262: {  	s31 =	simm.s32 $0x1;
	[sflag:s25] =	ssyncset.done $0x0;
	s2 =	rddreg [dreg:$0x1f]  }
0x263: {  	s25 =	simm.s32 $0x80;
	[sflag:s31] =	ssyncadd.s32 $0xFFFF4000;
	s31 =	simm.s32 $0x400  }
0x264: {  	[hbm4b:s2+s25] =	stream.strided.scatter [tilespmem:s6], [sflag:$0x3], $0xC000, s31, s25, $0x38;
	[tilespmem:$0x18100] =	vst v63  }
0x265: {  	_ =	swait.ge [sflag:s30], $0xC000  }
0x266: {  	[sflag:s30] =	ssyncset.done $0x0  }
0x267: {  	[sflag:s30] =	ssyncadd.s32 $0xFFFF4000  }
0x268: {  	v2 =	vld.msk [tilespmem:$0xF8], $0x1;
	_ =	sdelay $0x4  }
0x269: {  	v3 =	vshrl.u32 v2, $0x3  }
0x26a: {  	v3 =	vmul.u32 $0xC00, v3  }
0x26b: {  	v2 =	vand.u32 $0x7, v2  }
0x26c: {  	v2 =	vor.u32 v2, v3  }
0x26d: {  	v2 =	vperm.xlane v2, v0;
	_ =	sdelay $0x1  }
0x26e: {  	v2 =	vadd.s32 v1, v2;
	_ =	sdelay $0x3  }
0x26f: {  	s25 =	simm.s32 $0xC100;
	s6 =	rddreg [dreg:$0x1]  }
0x270: {  	[tilespmem:s25], [sflag:$0x2] =	stream.indirect_vreg.gather [hbm4b:s6+s4], $0x80, v2, vm0, $0xb8;
	[tilespmem:$0x18100] =	vst v63  }
0x271: {  	s6 =	simm.s32 $0xC900  }
0x272: {  	[tilespmem:s6], [sflag:$0x2] =	stream.indirect_vreg.gather [hbm4b:s21+s4], $0x80, v2, vm0, $0xb8;
	[tilespmem:$0x18100] =	vst v63  }
0x273: {  	s6 =	simm.s32 $0xD100  }
0x274: {  	[tilespmem:s6], [sflag:$0x2] =	stream.indirect_vreg.gather [hbm4b:s8+s4], $0x80, v2, vm0, $0xb8;
	[tilespmem:$0x18100] =	vst v63  }
0x275: {  	s8 =	simm.s32 $0xD900  }
0x276: {  	[tilespmem:s8], [sflag:$0x2] =	stream.indirect_vreg.gather [hbm4b:s9+s4], $0x80, v2, vm0, $0xb8;
	[tilespmem:$0x18100] =	vst v63  }
0x277: {  	s9 =	simm.s32 $0xE100  }
0x278: {  	[tilespmem:s9], [sflag:$0x2] =	stream.indirect_vreg.gather [hbm4b:s10+s4], $0x80, v2, vm0, $0xb8;
	[tilespmem:$0x18100] =	vst v63  }
0x279: {  	s21 =	simm.s32 $0xE900  }
0x27a: {  	[tilespmem:s21], [sflag:$0x2] =	stream.indirect_vreg.gather [hbm4b:s11+s4], $0x80, v2, vm0, $0xb8;
	[tilespmem:$0x18100] =	vst v63  }
0x27b: {  	s6 =	simm.s32 $0xF100  }
0x27c: {  	[tilespmem:s6], [sflag:$0x2] =	stream.indirect_vreg.gather [hbm4b:s12+s4], $0x80, v2, vm0, $0xb8;
	[tilespmem:$0x18100] =	vst v63  }
0x27d: {  	s8 =	simm.s32 $0xF900  }
0x27e: {  	[tilespmem:s8], [sflag:$0x2] =	stream.indirect_vreg.gather [hbm4b:s13+s4], $0x80, v2, vm0, $0xb8;
	[tilespmem:$0x18100] =	vst v63  }
0x27f: {  	s9 =	simm.s32 $0x10100  }
0x280: {  	[tilespmem:s9], [sflag:$0x2] =	stream.indirect_vreg.gather [hbm4b:s14+s4], $0x80, v2, vm0, $0xb8;
	[tilespmem:$0x18100] =	vst v63  }
0x281: {  	s10 =	simm.s32 $0x10900  }
0x282: {  	[tilespmem:s10], [sflag:$0x2] =	stream.indirect_vreg.gather [hbm4b:s15+s4], $0x80, v2, vm0, $0xb8;
	[tilespmem:$0x18100] =	vst v63  }
0x283: {  	s11 =	simm.s32 $0x11100  }
0x284: {  	[tilespmem:s11], [sflag:$0x2] =	stream.indirect_vreg.gather [hbm4b:s16+s4], $0x80, v2, vm0, $0xb8;
	[tilespmem:$0x18100] =	vst v63  }
0x285: {  	s12 =	simm.s32 $0x11900  }
0x286: {  	[tilespmem:s12], [sflag:$0x2] =	stream.indirect_vreg.gather [hbm4b:s17+s4], $0x80, v2, vm0, $0xb8;
	[tilespmem:$0x18100] =	vst v63  }
0x287: {  	s13 =	simm.s32 $0x12100  }
0x288: {  	[tilespmem:s13], [sflag:$0x2] =	stream.indirect_vreg.gather [hbm4b:s18+s4], $0x80, v2, vm0, $0xb8;
	[tilespmem:$0x18100] =	vst v63  }
0x289: {  	s14 =	simm.s32 $0x12900  }
0x28a: {  	[tilespmem:s14], [sflag:$0x2] =	stream.indirect_vreg.gather [hbm4b:s19+s4], $0x80, v2, vm0, $0xb8;
	[tilespmem:$0x18100] =	vst v63  }
0x28b: {  	s15 =	simm.s32 $0x13100  }
0x28c: {  	[tilespmem:s15], [sflag:$0x2] =	stream.indirect_vreg.gather [hbm4b:s20+s4], $0x80, v2, vm0, $0xb8;
	[tilespmem:$0x18100] =	vst v63  }
0x28d: {  	s16 =	simm.s32 $0x13900  }
0x28e: {  	[tilespmem:s16], [sflag:$0x2] =	stream.indirect_vreg.gather [hbm4b:s22+s4], $0x80, v2, vm0, $0xb8;
	[tilespmem:$0x18100] =	vst v63  }
0x28f: {  	s17 =	simm.s32 $0x14100  }
0x290: {  	[tilespmem:s17], [sflag:$0x2] =	stream.indirect_vreg.gather [hbm4b:s23+s4], $0x80, v2, vm0, $0xb8;
	[tilespmem:$0x18100] =	vst v63  }
0x291: {  	s18 =	simm.s32 $0x14900  }
0x292: {  	[tilespmem:s18], [sflag:$0x2] =	stream.indirect_vreg.gather [hbm4b:s24+s4], $0x80, v2, vm0, $0xb8;
	[tilespmem:$0x18100] =	vst v63  }
0x293: {  	s19 =	simm.s32 $0x15100  }
0x294: {  	[tilespmem:s19], [sflag:$0x2] =	stream.indirect_vreg.gather [hbm4b:s26+s4], $0x80, v2, vm0, $0xb8;
	[tilespmem:$0x18100] =	vst v63  }
0x295: {  	s20 =	simm.s32 $0x15900  }
0x296: {  	[tilespmem:s20], [sflag:$0x2] =	stream.indirect_vreg.gather [hbm4b:s28+s4], $0x80, v2, vm0, $0xb8;
	[tilespmem:$0x18100] =	vst v63  }
0x297: {  	s21 =	simm.s32 $0x16100  }
0x298: {  	[tilespmem:s21], [sflag:$0x2] =	stream.indirect_vreg.gather [hbm4b:s0+s4], $0x80, v2, vm0, $0xb8;
	[tilespmem:$0x18100] =	vst v63  }
0x299: {  	s22 =	simm.s32 $0x16900  }
0x29a: {  	[tilespmem:s22], [sflag:$0x2] =	stream.indirect_vreg.gather [hbm4b:s29+s4], $0x80, v2, vm0, $0xb8;
	[tilespmem:$0x18100] =	vst v63  }
0x29b: {  	s23 =	simm.s32 $0x17100  }
0x29c: {  	[tilespmem:s23], [sflag:$0x2] =	stream.indirect_vreg.gather [hbm4b:s1+s4], $0x80, v2, vm0, $0xb8;
	[tilespmem:$0x18100] =	vst v63  }
0x29d: {  	s24 =	simm.s32 $0x17900  }
0x29e: {  	[tilespmem:s24], [sflag:$0x2] =	stream.indirect_vreg.gather [hbm4b:s5+s4], $0x80, v2, vm0, $0xb8;
	[tilespmem:$0x18100] =	vst v63  }
0x29f: {  	_ =	swait.ge [sflag:s3], $0xC000  }
0x2a0: {  	s26 =	sld [smem:$0x7FA]  }
0x2a1: {  	[sflag:s3] =	ssyncset.done $0x0  }
0x2a2: {  	s28 =	simm.s32 $0x80;
	[sflag:s3] =	ssyncadd.s32 $0xFFFF4000  }
0x2a3: {  	[hbm4b:s26+s28] =	stream.strided.scatter [tilespmem:s25], [sflag:$0x4], $0xC000, s31, s28, $0x38;
	[tilespmem:$0x18100] =	vst v63  }
0x2a4: {  	_ =	swait.ge [sflag:s7], $0xC000  }
0x2a5: {  	[sflag:s7] =	ssyncset.done $0x0  }
0x2a6: {  	[sflag:s7] =	ssyncadd.s32 $0xFFFF4000  }
0x2a7: {  	_ =	swait.ge [sflag:s30], $0xC000  }
0x2a8: {  	s29 =	sld [smem:$0x7F9]  }
0x2a9: {  	s31 =	sld [smem:$0x7FB];
	_ =	sdelay $0x1  }
0x2aa: {  	s0 =	sadd.s32 $0x1, s29  }
0x2ab: {  	p0 =	sne.s32 s0, s31  }
.Ltmp1:
0x2ac: {  	_ = 	snop;
	(pc) =	sbr.rel @p0 .LBB2_1-.Ltmp1, $3  }
0x2ad: {  	_ =	sdelay $0x1  }
0x2ae: {  	[sflag:s30] =	ssyncset.done $0x0  }
0x2af: {  	[sflag:s30] =	ssyncadd.s32 $0xFFFF4000  }
0x2b0: {  	_ =	sfence.sel $0x180000  }
0x2b1: {  	[bflag:$0x0] =	sbarrier.arrive $0xFFFF  }
0x2b2: {  	_ =	strace $0x90000047  }
0x2b3: {  	s0 =	stileid.u32;
	[bflag:$0x2] =	sbarrier.arrive $0xFFFF  }
0x2b4: {  	p0 =	sne.s32 s0, $0x0;
	s0 =	rddreg [dreg:$0x3]  }
0x2b5: {  	s0 =	sadd.s32 @!p0 $0x100000, s0  }
0x2b6: {  	[sflag:s0] =	ssyncadd.tile.s32 @!p0 $0x1;
	_ =	shalt  }
.Lfunc_end2:
_tile_overlayer_lowered:
.L_overlay_start_2:
0x2b7: {  	(tag) =	ssettag $0x2  }
0x2b8: {  	s0 =	rddreg [dreg:$0x0];
	s2 =	stileid.u32  }
0x2b9: {  	s1 =	rddreg [dreg:$0x1];
	p0 =	sne.s32 s2, $0x0  }
0x2ba: {  	s3 =	rddreg [dreg:$0x2];
	[bflag:$0x3] =	sbarrier.arrive $0xFFFF;
	s2 =	simm.s32 @!p0 $0x1C05  }
0x2bb: {  	[timem:s3], [sflag:s2] =	dma.local @!p0 [hbm:s0], s1  }
0x2bc: {  	s0 =	simm.s32 @!p0 $0x5  }
0x2bd: {  	_ =	swait.ge @!p0 [sflag:s0], s1  }
0x2be: {  	s1 =	ssub.s32 @!p0 $0x0, s1;
	[sflag:s0] =	ssyncset.done @!p0 $0x0  }
0x2bf: {  	[sflag:s0] =	ssyncadd.s32 @!p0 s1  }
0x2c0: {  	[bflag:$0x3] =	sbarrier.arrive $0xFFFF  }
0x2c1: {  	_ =	shalt  }

</sc_bundles>
